<compile_context>
chip_gen: v7x
topology: tpu7x:2x2x1
jax: 0.10.2.dev20260603
libtpu: 0.0.44.dev20260713+nightly
codegen_flags: <defaults>
</compile_context>

<pallas_src>
import dataclasses
import functools

import jax
import jax.numpy as jnp
from jax import lax
from jax.experimental import pallas as pl
from jax.experimental.pallas import tpu as pltpu
from jax.experimental.pallas import tpu_sc as plsc

NC = 2
NS = 16
NW = NC * NS
L = 16
NSLICE = 2


def kernel(xs, t, y):
    del t
    n = xs.shape[0]
    nk = y.shape[0]
    chunk = n // NW
    scale = jnp.float32(nk - 1)

    mesh = plsc.VectorSubcoreMesh(core_axis_name="c", subcore_axis_name="s")

    cp = pltpu.CompilerParams()
    if "needs_layout_passes" in pltpu.CompilerParams.__dataclass_fields__:
        cp = dataclasses.replace(cp, needs_layout_passes=False)

    @functools.partial(
        pl.kernel,
        out_type=jax.ShapeDtypeStruct((n,), jnp.float32),
        mesh=mesh,
        compiler_params=cp,
        scratch_types=[
            pltpu.VMEM((chunk,), jnp.float32),
            pltpu.VMEM((chunk,), jnp.float32),
            pltpu.VMEM((nk,), jnp.float32),
            pltpu.VMEM((nk,), jnp.float32),
            pltpu.VMEM((nk,), jnp.float32),
            pltpu.VMEM((nk,), jnp.int32),
            pltpu.VMEM((nk,), jnp.int32),
            pltpu.SemaphoreType.DMA((NSLICE,)),
            pltpu.SemaphoreType.DMA((NSLICE,)),
            pltpu.SemaphoreType.DMA,
        ],
    )
    def sc_spline(xs_hbm, y_hbm, out_hbm, xv, ov, yv, dv, gv, pv, qv,
                  in_sems, out_sems, ysem):
        def rne16(v):
            u = lax.bitcast_convert_type(v, jnp.uint32)
            return (u + jnp.uint32(0x7FFF) + ((u >> 16) & jnp.uint32(1))) >> 16

        def unpack_hi(w):
            return lax.bitcast_convert_type(w & jnp.uint32(0xFFFF0000),
                                            jnp.float32)

        def unpack_lo(w):
            return lax.bitcast_convert_type(w << 16, jnp.float32)

        wid = lax.axis_index("s") * NC + lax.axis_index("c")
        base = wid * chunk
        sl = chunk // NSLICE
        in_cpys = [
            pltpu.async_copy(
                xs_hbm.at[pl.ds(base + s * sl, sl)],
                xv.at[pl.ds(s * sl, sl)],
                in_sems.at[s],
            )
            for s in range(NSLICE)
        ]
        pltpu.async_copy(y_hbm, yv, ysem).wait()

        @plsc.parallel_loop(0, nk, step=L, unroll=4)
        def _(c):
            idx = lax.iota(jnp.int32, L) + c
            y0 = plsc.load_gather(yv, [jnp.minimum(idx, nk - 1)])
            y1 = plsc.load_gather(yv, [jnp.minimum(idx + 1, nk - 1)])
            dv[pl.ds(c, L)] = y1 - y0

        @plsc.parallel_loop(0, nk, step=L, unroll=4)
        def _(c):
            idx = lax.iota(jnp.int32, L) + c
            lo = plsc.load_gather(dv, [jnp.maximum(idx - 1, 0)])
            hi = plsc.load_gather(dv, [jnp.minimum(idx, nk - 2)])
            gv[pl.ds(c, L)] = 0.5 * (lo + hi)

        @plsc.parallel_loop(0, nk, step=L, unroll=4)
        def _(c):
            idx = lax.iota(jnp.int32, L) + c
            dd = plsc.load_gather(dv, [jnp.minimum(idx, nk - 2)])
            gi = plsc.load_gather(gv, [idx])
            gi1 = plsc.load_gather(gv, [jnp.minimum(idx + 1, nk - 1)])
            y16 = yv[pl.ds(c, L)]
            cc = 3.0 * dd - 2.0 * gi - gi1
            qq = gi + gi1 - 2.0 * dd
            pv[pl.ds(c, L)] = lax.bitcast_convert_type(
                (rne16(y16) << 16) | rne16(gi), jnp.int32)
            qv[pl.ds(c, L)] = lax.bitcast_convert_type(
                (rne16(cc) << 16) | rne16(qq), jnp.int32)

        out_cpys = []
        for s in range(NSLICE):
            in_cpys[s].wait()

            @plsc.parallel_loop(s * sl, (s + 1) * sl, step=L, unroll=8)
            def _(c):
                x16 = xv[pl.ds(c, L)]
                u = x16 * scale
                i0 = u.astype(jnp.int32)
                i16 = jnp.minimum(i0, nk - 2)
                tt = u - i0.astype(jnp.float32)
                pw = lax.bitcast_convert_type(
                    plsc.load_gather(pv, [i16]), jnp.uint32)
                qw = lax.bitcast_convert_type(
                    plsc.load_gather(qv, [i16]), jnp.uint32)
                a, b = unpack_hi(pw), unpack_lo(pw)
                cc, dd = unpack_hi(qw), unpack_lo(qw)
                ov[pl.ds(c, L)] = a + tt * (b + tt * (cc + tt * dd))

            out_cpys.append(
                pltpu.async_copy(
                    ov.at[pl.ds(s * sl, sl)],
                    out_hbm.at[pl.ds(base + s * sl, sl)],
                    out_sems.at[s],
                )
            )
        for c in out_cpys:
            c.wait()

    return sc_spline(xs, y)

# --- scband reference (transcript-rebuilt; emitter-appended) ---
"""Pipeline reference for scband-cubic-spline-18442589569713 (READ-ONLY COPY).

The authoritative reference and input builder live on the scoring server;
editing this copy changes nothing except your own understanding.
"""

import jax, jax.numpy as jnp
import numpy as np

N_KNOT = 1024
N = 1048576

def setup_inputs(seed: int = 0) -> dict:
    key = jax.random.key(seed)
    k1, k2 = jax.random.split(key)
    xs = jax.random.uniform(k1, (N,), dtype=jnp.float32)
    t = jnp.zeros((1,), dtype=jnp.float32)
    # learned parameter y (spline knot values), buffer x is deterministic linspace
    y = jax.random.normal(k2, (N_KNOT,), dtype=jnp.float32)
    return {"xs": xs, "t": t, "y": y}

def reference(xs, t, y):
    # buffer x = linspace(0, 1, n_knot)
    x = jnp.linspace(0.0, 1.0, N_KNOT, dtype=jnp.float32)
    # slopes m (finite differences, averaged interior)
    m = (y[1:] - y[:-1]) / (x[1:] - x[:-1])
    m = jnp.concatenate([m[:1], (m[1:] + m[:-1]) / 2.0, m[-1:]])
    # torch.searchsorted(self.x[1:], xs) with right=False == side='left'
    idxs = jnp.searchsorted(x[1:], xs)
    dx = x[idxs + 1] - x[idxs]
    tt = (xs - x[idxs]) / dx  # t.squeeze() on 1D stays 1D
    # h_poly, 1D branch: tt_pow = t[None,:] ** arange(4)[:,None]; hh = A @ tt_pow
    A = jnp.array([[1, 0, -3, 2], [0, 1, -2, 1], [0, 0, 3, -2], [0, 0, -1, 1]], dtype=xs.dtype)
    tp = tt[None, :] ** jnp.arange(4, dtype=xs.dtype)[:, None]
    hh = A @ tp  # [4, N]
    cs = hh[0] * y[idxs] + hh[1] * m[idxs] * dx + hh[2] * y[idxs + 1] + hh[3] * m[idxs + 1] * dx
    return cs

if __name__ == "__main__":
    import jax
    _d = setup_inputs()
    print(jax.jit(kernel)(*tuple(_d.values())))

</pallas_src>

<mosaic_0001>
#map = affine_map<(d0, d1) -> (0)>
module attributes {stable_mosaic.version = 14 : i64} {
  func.func @_rewritten_body(%arg0: i32, %arg1: i32, %arg2: memref<1048576xf32, #tpu.memory_space<hbm>>, %arg3: memref<1024xf32, #tpu.memory_space<hbm>>, %arg4: memref<1xf32, #tpu.memory_space<hbm>>, %arg5: memref<1048576xf32, #tpu.memory_space<hbm>>, %arg6: memref<32768xf32, #tpu.memory_space<vmem>>, %arg7: memref<32768xf32, #tpu.memory_space<vmem>>, %arg8: memref<1024xf32, #tpu.memory_space<vmem>>, %arg9: memref<1024xf32, #tpu.memory_space<vmem>>, %arg10: memref<1024xf32, #tpu.memory_space<vmem>>, %arg11: memref<1024xi32, #tpu.memory_space<vmem>>, %arg12: memref<1024xi32, #tpu.memory_space<vmem>>, %arg13: memref<2x!tpu.dma_semaphore, #tpu.memory_space<semaphore_mem>>, %arg14: memref<2x!tpu.dma_semaphore, #tpu.memory_space<semaphore_mem>>, %arg15: memref<!tpu.dma_semaphore, #tpu.memory_space<semaphore_mem>>) attributes {dimension_semantics = [#tpu.dimension_semantics<core_parallel>, #tpu.dimension_semantics<subcore_parallel>], iteration_bounds = array<i64: 2, 16>, scalar_prefetch = 0 : i64, scratch_operands = 10 : i64, tpu.core_type = #tpu.core_type<sc_vector_subcore>, window_params = [{transform_indices = #map}, {transform_indices = #map}, {transform_indices = #map}, {transform_indices = #map}]} {
    %empty_ref3A = memref.alloca() : memref<16xf32, #tpu.memory_space<vmem>>
    "tpu.region"() ({
      %run_scoped3A = tpu.sem_alloc : memref<!tpu.dma_semaphore, #tpu.memory_space<semaphore_mem>>
      %dma_start3A_96 = arith.constant 0 : i32
      %dma_start3A_97 = tpu.memref_slice %empty_ref3A[%dma_start3A_96] : memref<16xf32, #tpu.memory_space<vmem>> -> memref<1xf32, #tpu.memory_space<vmem>>
      %dma_start3A_98 = arith.constant 0 : i32
      %dma_start3A_99 = tpu.memref_slice %empty_ref3A[%dma_start3A_98] : memref<16xf32, #tpu.memory_space<vmem>> -> memref<1xf32, #tpu.memory_space<vmem>>
      tpu.enqueue_dma source(%arg4 : memref<1xf32, #tpu.memory_space<hbm>>) target(%dma_start3A_99 : memref<1xf32, #tpu.memory_space<vmem>>) target_semaphore(%run_scoped3A : memref<!tpu.dma_semaphore, #tpu.memory_space<semaphore_mem>>)
      %dma_wait3A_100 = arith.constant 0 : i32
      %dma_wait3A_101 = tpu.memref_slice %empty_ref3A[%dma_wait3A_100] : memref<16xf32, #tpu.memory_space<vmem>> -> memref<1xf32, #tpu.memory_space<vmem>>
      %dma_wait3A_102 = arith.constant 0 : i32
      %dma_wait3A_103 = tpu.memref_slice %empty_ref3A[%dma_wait3A_102] : memref<16xf32, #tpu.memory_space<vmem>> -> memref<1xf32, #tpu.memory_space<vmem>>
      tpu.wait_dma2 semaphore(%run_scoped3A : memref<!tpu.dma_semaphore, #tpu.memory_space<semaphore_mem>>) src(%arg4 : memref<1xf32, #tpu.memory_space<hbm>>) dst(%dma_wait3A_103 : memref<1xf32, #tpu.memory_space<vmem>>)
      tpu.yield
    }) : () -> ()
    %get3A = arith.constant 0 : index
    %get3A_0 = tpu.vector_load %empty_ref3A[%get3A] {strides = array<i32>} : memref<16xf32, #tpu.memory_space<vmem>>, vector<16xf32>,
    %slice3A = vector.extract_strided_slice %get3A_0 {offsets = [0], sizes = [1], strides = [1]} : vector<16xf32> to vector<1xf32>
    %squeeze3A = vector.extract %slice3A[0] : f32 from vector<1xf32>
    %mul3A = arith.constant 2 : i32
    %mul3A_1 = arith.muli %arg1, %mul3A : i32
    %add3A = arith.addi %mul3A_1, %arg0 : i32
    %mul3A_2 = arith.constant 32768 : i32
    %mul3A_3 = arith.muli %add3A, %mul3A_2 : i32
    %add3A_4 = arith.constant 0 : i32
    %add3A_5 = arith.addi %mul3A_3, %add3A_4 : i32
    %dma_start3A = arith.constant 0 : i32
    %dma_start3A_6 = arith.constant 0 : i32
    %dma_start3A_7 = tpu.memref_slice %arg6[%dma_start3A_6] : memref<32768xf32, #tpu.memory_space<vmem>> -> memref<16384xf32, #tpu.memory_space<vmem>>
    %dma_start3A_8 = tpu.memref_slice %arg2[%add3A_5] : memref<1048576xf32, #tpu.memory_space<hbm>> -> memref<16384xf32, #tpu.memory_space<hbm>>
    %dma_start3A_9 = tpu.memref_slice %arg13[%dma_start3A] : memref<2x!tpu.dma_semaphore, #tpu.memory_space<semaphore_mem>> -> memref<1x!tpu.dma_semaphore, #tpu.memory_space<semaphore_mem>>
    %dma_start3A_10 = tpu.memref_squeeze %dma_start3A_9 : memref<1x!tpu.dma_semaphore, #tpu.memory_space<semaphore_mem>> -> memref<!tpu.dma_semaphore, #tpu.memory_space<semaphore_mem>>
    %dma_start3A_11 = arith.constant 0 : i32
    %dma_start3A_12 = tpu.memref_slice %arg6[%dma_start3A_11] : memref<32768xf32, #tpu.memory_space<vmem>> -> memref<16384xf32, #tpu.memory_space<vmem>>
    %dma_start3A_13 = tpu.memref_slice %arg2[%add3A_5] : memref<1048576xf32, #tpu.memory_space<hbm>> -> memref<16384xf32, #tpu.memory_space<hbm>>
    tpu.enqueue_dma source(%dma_start3A_13 : memref<16384xf32, #tpu.memory_space<hbm>>) target(%dma_start3A_12 : memref<16384xf32, #tpu.memory_space<vmem>>) target_semaphore(%dma_start3A_10 : memref<!tpu.dma_semaphore, #tpu.memory_space<semaphore_mem>>)
    %add3A_14 = arith.constant 16384 : i32
    %add3A_15 = arith.addi %mul3A_3, %add3A_14 : i32
    %dma_start3A_16 = arith.constant 1 : i32
    %dma_start3A_17 = arith.constant 16384 : i32
    %dma_start3A_18 = tpu.memref_slice %arg6[%dma_start3A_17] : memref<32768xf32, #tpu.memory_space<vmem>> -> memref<16384xf32, #tpu.memory_space<vmem>>
    %dma_start3A_19 = tpu.memref_slice %arg2[%add3A_15] : memref<1048576xf32, #tpu.memory_space<hbm>> -> memref<16384xf32, #tpu.memory_space<hbm>>
    %dma_start3A_20 = tpu.memref_slice %arg13[%dma_start3A_16] : memref<2x!tpu.dma_semaphore, #tpu.memory_space<semaphore_mem>> -> memref<1x!tpu.dma_semaphore, #tpu.memory_space<semaphore_mem>>
    %dma_start3A_21 = tpu.memref_squeeze %dma_start3A_20 : memref<1x!tpu.dma_semaphore, #tpu.memory_space<semaphore_mem>> -> memref<!tpu.dma_semaphore, #tpu.memory_space<semaphore_mem>>
    %dma_start3A_22 = arith.constant 16384 : i32
    %dma_start3A_23 = tpu.memref_slice %arg6[%dma_start3A_22] : memref<32768xf32, #tpu.memory_space<vmem>> -> memref<16384xf32, #tpu.memory_space<vmem>>
    %dma_start3A_24 = tpu.memref_slice %arg2[%add3A_15] : memref<1048576xf32, #tpu.memory_space<hbm>> -> memref<16384xf32, #tpu.memory_space<hbm>>
    tpu.enqueue_dma source(%dma_start3A_24 : memref<16384xf32, #tpu.memory_space<hbm>>) target(%dma_start3A_23 : memref<16384xf32, #tpu.memory_space<vmem>>) target_semaphore(%dma_start3A_21 : memref<!tpu.dma_semaphore, #tpu.memory_space<semaphore_mem>>)
    tpu.enqueue_dma source(%arg3 : memref<1024xf32, #tpu.memory_space<hbm>>) target(%arg8 : memref<1024xf32, #tpu.memory_space<vmem>>) target_semaphore(%arg15 : memref<!tpu.dma_semaphore, #tpu.memory_space<semaphore_mem>>)
    tpu.wait_dma2 semaphore(%arg15 : memref<!tpu.dma_semaphore, #tpu.memory_space<semaphore_mem>>) src(%arg3 : memref<1024xf32, #tpu.memory_space<hbm>>) dst(%arg8 : memref<1024xf32, #tpu.memory_space<vmem>>)
    %parallel_loop3A = arith.constant 0 : i32
    %parallel_loop3A_25 = arith.constant 1024 : i32
    %parallel_loop3A_26 = arith.constant 16 : i32
    scf.for %parallel_loop3A_96 = %parallel_loop3A to %parallel_loop3A_25 step %parallel_loop3A_26  : i32 {
      %parallel_loop3A_97 = tpu.iota {dimensions = array<i32: 0>} : vector<16xi32>
      %parallel_loop3A_98 = vector.broadcast %parallel_loop3A_96 : i32 to vector<16xi32>
      %parallel_loop3A_99 = arith.addi %parallel_loop3A_97, %parallel_loop3A_98 : vector<16xi32>
      %parallel_loop3A_100 = arith.constant 1023 : i32
      %parallel_loop3A_101 = vector.broadcast %parallel_loop3A_100 : i32 to vector<16xi32>
      %parallel_loop3A_102 = arith.minsi %parallel_loop3A_99, %parallel_loop3A_101 : vector<16xi32>
      %parallel_loop3A_103 = tpu.vector_load_idx %arg8[%parallel_loop3A_102] : memref<1024xf32, #tpu.memory_space<vmem>>[vector<16xi32>], vector<16xf32>,
      %parallel_loop3A_104 = arith.constant 1 : i32
      %parallel_loop3A_105 = vector.broadcast %parallel_loop3A_104 : i32 to vector<16xi32>
      %parallel_loop3A_106 = arith.addi %parallel_loop3A_99, %parallel_loop3A_105 : vector<16xi32>
      %parallel_loop3A_107 = arith.constant 1023 : i32
      %parallel_loop3A_108 = vector.broadcast %parallel_loop3A_107 : i32 to vector<16xi32>
      %parallel_loop3A_109 = arith.minsi %parallel_loop3A_106, %parallel_loop3A_108 : vector<16xi32>
      %parallel_loop3A_110 = tpu.vector_load_idx %arg8[%parallel_loop3A_109] : memref<1024xf32, #tpu.memory_space<vmem>>[vector<16xi32>], vector<16xf32>,
      %parallel_loop3A_111 = arith.subf %parallel_loop3A_110, %parallel_loop3A_103 : vector<16xf32>
      %parallel_loop3A_112 = arith.index_cast %parallel_loop3A_96 : i32 to index
      %parallel_loop3A_113 = tpu.vector_load %arg9[%parallel_loop3A_112] {strides = array<i32>} : memref<1024xf32, #tpu.memory_space<vmem>>, vector<16xf32>,
      tpu.vector_store %arg9[%parallel_loop3A_112], %parallel_loop3A_111 {strides = array<i32>} : memref<1024xf32, #tpu.memory_space<vmem>>, vector<16xf32>,
    } {sc.loop_unroll_factor = 4 : i64, sc.parallel_access}
    %parallel_loop3A_27 = arith.constant 0 : i32
    %parallel_loop3A_28 = arith.constant 1024 : i32
    %parallel_loop3A_29 = arith.constant 16 : i32
    scf.for %parallel_loop3A_96 = %parallel_loop3A_27 to %parallel_loop3A_28 step %parallel_loop3A_29  : i32 {
      %parallel_loop3A_97 = tpu.iota {dimensions = array<i32: 0>} : vector<16xi32>
      %parallel_loop3A_98 = vector.broadcast %parallel_loop3A_96 : i32 to vector<16xi32>
      %parallel_loop3A_99 = arith.addi %parallel_loop3A_97, %parallel_loop3A_98 : vector<16xi32>
      %parallel_loop3A_100 = arith.constant 1 : i32
      %parallel_loop3A_101 = vector.broadcast %parallel_loop3A_100 : i32 to vector<16xi32>
      %parallel_loop3A_102 = arith.subi %parallel_loop3A_99, %parallel_loop3A_101 : vector<16xi32>
      %parallel_loop3A_103 = arith.constant 0 : i32
      %parallel_loop3A_104 = vector.broadcast %parallel_loop3A_103 : i32 to vector<16xi32>
      %parallel_loop3A_105 = arith.maxsi %parallel_loop3A_102, %parallel_loop3A_104 : vector<16xi32>
      %parallel_loop3A_106 = tpu.vector_load_idx %arg9[%parallel_loop3A_105] : memref<1024xf32, #tpu.memory_space<vmem>>[vector<16xi32>], vector<16xf32>,
      %parallel_loop3A_107 = arith.constant 1022 : i32
      %parallel_loop3A_108 = vector.broadcast %parallel_loop3A_107 : i32 to vector<16xi32>
      %parallel_loop3A_109 = arith.minsi %parallel_loop3A_99, %parallel_loop3A_108 : vector<16xi32>
      %parallel_loop3A_110 = tpu.vector_load_idx %arg9[%parallel_loop3A_109] : memref<1024xf32, #tpu.memory_space<vmem>>[vector<16xi32>], vector<16xf32>,
      %parallel_loop3A_111 = arith.addf %parallel_loop3A_106, %parallel_loop3A_110 : vector<16xf32>
      %parallel_loop3A_112 = arith.constant 5.000000e-01 : f32
      %parallel_loop3A_113 = vector.broadcast %parallel_loop3A_112 : f32 to vector<16xf32>
      %parallel_loop3A_114 = arith.mulf %parallel_loop3A_113, %parallel_loop3A_111 : vector<16xf32>
      %parallel_loop3A_115 = arith.index_cast %parallel_loop3A_96 : i32 to index
      %parallel_loop3A_116 = tpu.vector_load %arg10[%parallel_loop3A_115] {strides = array<i32>} : memref<1024xf32, #tpu.memory_space<vmem>>, vector<16xf32>,
      tpu.vector_store %arg10[%parallel_loop3A_115], %parallel_loop3A_114 {strides = array<i32>} : memref<1024xf32, #tpu.memory_space<vmem>>, vector<16xf32>,
    } {sc.loop_unroll_factor = 4 : i64, sc.parallel_access}
    %parallel_loop3A_30 = arith.constant 0 : i32
    %parallel_loop3A_31 = arith.constant 1024 : i32
    %parallel_loop3A_32 = arith.constant 16 : i32
    scf.for %parallel_loop3A_96 = %parallel_loop3A_30 to %parallel_loop3A_31 step %parallel_loop3A_32  : i32 {
      %parallel_loop3A_97 = tpu.iota {dimensions = array<i32: 0>} : vector<16xi32>
      %parallel_loop3A_98 = vector.broadcast %parallel_loop3A_96 : i32 to vector<16xi32>
      %parallel_loop3A_99 = arith.addi %parallel_loop3A_97, %parallel_loop3A_98 : vector<16xi32>
      %parallel_loop3A_100 = arith.constant 1022 : i32
      %parallel_loop3A_101 = vector.broadcast %parallel_loop3A_100 : i32 to vector<16xi32>
      %parallel_loop3A_102 = arith.minsi %parallel_loop3A_99, %parallel_loop3A_101 : vector<16xi32>
      %parallel_loop3A_103 = tpu.vector_load_idx %arg9[%parallel_loop3A_102] : memref<1024xf32, #tpu.memory_space<vmem>>[vector<16xi32>], vector<16xf32>,
      %parallel_loop3A_104 = tpu.vector_load_idx %arg10[%parallel_loop3A_99] : memref<1024xf32, #tpu.memory_space<vmem>>[vector<16xi32>], vector<16xf32>,
      %parallel_loop3A_105 = arith.constant 1 : i32
      %parallel_loop3A_106 = vector.broadcast %parallel_loop3A_105 : i32 to vector<16xi32>
      %parallel_loop3A_107 = arith.addi %parallel_loop3A_99, %parallel_loop3A_106 : vector<16xi32>
      %parallel_loop3A_108 = arith.constant 1023 : i32
      %parallel_loop3A_109 = vector.broadcast %parallel_loop3A_108 : i32 to vector<16xi32>
      %parallel_loop3A_110 = arith.minsi %parallel_loop3A_107, %parallel_loop3A_109 : vector<16xi32>
      %parallel_loop3A_111 = tpu.vector_load_idx %arg10[%parallel_loop3A_110] : memref<1024xf32, #tpu.memory_space<vmem>>[vector<16xi32>], vector<16xf32>,
      %parallel_loop3A_112 = arith.index_cast %parallel_loop3A_96 : i32 to index
      %parallel_loop3A_113 = tpu.vector_load %arg8[%parallel_loop3A_112] {strides = array<i32>} : memref<1024xf32, #tpu.memory_space<vmem>>, vector<16xf32>,
      %parallel_loop3A_114 = arith.constant 3.000000e+00 : f32
      %parallel_loop3A_115 = vector.broadcast %parallel_loop3A_114 : f32 to vector<16xf32>
      %parallel_loop3A_116 = arith.mulf %parallel_loop3A_115, %parallel_loop3A_103 : vector<16xf32>
      %parallel_loop3A_117 = arith.constant 2.000000e+00 : f32
      %parallel_loop3A_118 = vector.broadcast %parallel_loop3A_117 : f32 to vector<16xf32>
      %parallel_loop3A_119 = arith.mulf %parallel_loop3A_118, %parallel_loop3A_104 : vector<16xf32>
      %parallel_loop3A_120 = arith.subf %parallel_loop3A_116, %parallel_loop3A_119 : vector<16xf32>
      %parallel_loop3A_121 = arith.subf %parallel_loop3A_120, %parallel_loop3A_111 : vector<16xf32>
      %parallel_loop3A_122 = arith.addf %parallel_loop3A_104, %parallel_loop3A_111 : vector<16xf32>
      %parallel_loop3A_123 = arith.constant 2.000000e+00 : f32
      %parallel_loop3A_124 = vector.broadcast %parallel_loop3A_123 : f32 to vector<16xf32>
      %parallel_loop3A_125 = arith.mulf %parallel_loop3A_124, %parallel_loop3A_103 : vector<16xf32>
      %parallel_loop3A_126 = arith.subf %parallel_loop3A_122, %parallel_loop3A_125 : vector<16xf32>
      %parallel_loop3A_127 = tpu.bitcast %parallel_loop3A_113 : vector<16xf32> -> vector<16xi32>
      %parallel_loop3A_128 = arith.constant 32767 : i32
      %parallel_loop3A_129 = vector.broadcast %parallel_loop3A_128 : i32 to vector<16xi32>
      %parallel_loop3A_130 = arith.addi %parallel_loop3A_127, %parallel_loop3A_129 : vector<16xi32>
      %parallel_loop3A_131 = arith.constant 16 : i32
      %parallel_loop3A_132 = vector.broadcast %parallel_loop3A_131 : i32 to vector<16xi32>
      %parallel_loop3A_133 = arith.shrui %parallel_loop3A_127, %parallel_loop3A_132 : vector<16xi32>
      %parallel_loop3A_134 = arith.constant 1 : i32
      %parallel_loop3A_135 = vector.broadcast %parallel_loop3A_134 : i32 to vector<16xi32>
      %parallel_loop3A_136 = arith.andi %parallel_loop3A_133, %parallel_loop3A_135 : vector<16xi32>
      %parallel_loop3A_137 = arith.addi %parallel_loop3A_130, %parallel_loop3A_136 : vector<16xi32>
      %parallel_loop3A_138 = arith.constant 16 : i32
      %parallel_loop3A_139 = vector.broadcast %parallel_loop3A_138 : i32 to vector<16xi32>
      %parallel_loop3A_140 = arith.shrui %parallel_loop3A_137, %parallel_loop3A_139 : vector<16xi32>
      %parallel_loop3A_141 = arith.constant 16 : i32
      %parallel_loop3A_142 = vector.broadcast %parallel_loop3A_141 : i32 to vector<16xi32>
      %parallel_loop3A_143 = arith.shli %parallel_loop3A_140, %parallel_loop3A_142 : vector<16xi32>
      %parallel_loop3A_144 = tpu.bitcast %parallel_loop3A_104 : vector<16xf32> -> vector<16xi32>
      %parallel_loop3A_145 = arith.constant 32767 : i32
      %parallel_loop3A_146 = vector.broadcast %parallel_loop3A_145 : i32 to vector<16xi32>
      %parallel_loop3A_147 = arith.addi %parallel_loop3A_144, %parallel_loop3A_146 : vector<16xi32>
      %parallel_loop3A_148 = arith.constant 16 : i32
      %parallel_loop3A_149 = vector.broadcast %parallel_loop3A_148 : i32 to vector<16xi32>
      %parallel_loop3A_150 = arith.shrui %parallel_loop3A_144, %parallel_loop3A_149 : vector<16xi32>
      %parallel_loop3A_151 = arith.constant 1 : i32
      %parallel_loop3A_152 = vector.broadcast %parallel_loop3A_151 : i32 to vector<16xi32>
      %parallel_loop3A_153 = arith.andi %parallel_loop3A_150, %parallel_loop3A_152 : vector<16xi32>
      %parallel_loop3A_154 = arith.addi %parallel_loop3A_147, %parallel_loop3A_153 : vector<16xi32>
      %parallel_loop3A_155 = arith.constant 16 : i32
      %parallel_loop3A_156 = vector.broadcast %parallel_loop3A_155 : i32 to vector<16xi32>
      %parallel_loop3A_157 = arith.shrui %parallel_loop3A_154, %parallel_loop3A_156 : vector<16xi32>
      %parallel_loop3A_158 = arith.ori %parallel_loop3A_143, %parallel_loop3A_157 : vector<16xi32>
      %parallel_loop3A_159 = tpu.bitcast %parallel_loop3A_158 : vector<16xi32> -> vector<16xi32>
      %parallel_loop3A_160 = arith.index_cast %parallel_loop3A_96 : i32 to index
      %parallel_loop3A_161 = tpu.vector_load %arg11[%parallel_loop3A_160] {strides = array<i32>} : memref<1024xi32, #tpu.memory_space<vmem>>, vector<16xi32>,
      tpu.vector_store %arg11[%parallel_loop3A_160], %parallel_loop3A_159 {strides = array<i32>} : memref<1024xi32, #tpu.memory_space<vmem>>, vector<16xi32>,
      %parallel_loop3A_162 = tpu.bitcast %parallel_loop3A_121 : vector<16xf32> -> vector<16xi32>
      %parallel_loop3A_163 = arith.constant 32767 : i32
      %parallel_loop3A_164 = vector.broadcast %parallel_loop3A_163 : i32 to vector<16xi32>
      %parallel_loop3A_165 = arith.addi %parallel_loop3A_162, %parallel_loop3A_164 : vector<16xi32>
      %parallel_loop3A_166 = arith.constant 16 : i32
      %parallel_loop3A_167 = vector.broadcast %parallel_loop3A_166 : i32 to vector<16xi32>
      %parallel_loop3A_168 = arith.shrui %parallel_loop3A_162, %parallel_loop3A_167 : vector<16xi32>
      %parallel_loop3A_169 = arith.constant 1 : i32
      %parallel_loop3A_170 = vector.broadcast %parallel_loop3A_169 : i32 to vector<16xi32>
      %parallel_loop3A_171 = arith.andi %parallel_loop3A_168, %parallel_loop3A_170 : vector<16xi32>
      %parallel_loop3A_172 = arith.addi %parallel_loop3A_165, %parallel_loop3A_171 : vector<16xi32>
      %parallel_loop3A_173 = arith.constant 16 : i32
      %parallel_loop3A_174 = vector.broadcast %parallel_loop3A_173 : i32 to vector<16xi32>
      %parallel_loop3A_175 = arith.shrui %parallel_loop3A_172, %parallel_loop3A_174 : vector<16xi32>
      %parallel_loop3A_176 = arith.constant 16 : i32
      %parallel_loop3A_177 = vector.broadcast %parallel_loop3A_176 : i32 to vector<16xi32>
      %parallel_loop3A_178 = arith.shli %parallel_loop3A_175, %parallel_loop3A_177 : vector<16xi32>
      %parallel_loop3A_179 = tpu.bitcast %parallel_loop3A_126 : vector<16xf32> -> vector<16xi32>
      %parallel_loop3A_180 = arith.constant 32767 : i32
      %parallel_loop3A_181 = vector.broadcast %parallel_loop3A_180 : i32 to vector<16xi32>
      %parallel_loop3A_182 = arith.addi %parallel_loop3A_179, %parallel_loop3A_181 : vector<16xi32>
      %parallel_loop3A_183 = arith.constant 16 : i32
      %parallel_loop3A_184 = vector.broadcast %parallel_loop3A_183 : i32 to vector<16xi32>
      %parallel_loop3A_185 = arith.shrui %parallel_loop3A_179, %parallel_loop3A_184 : vector<16xi32>
      %parallel_loop3A_186 = arith.constant 1 : i32
      %parallel_loop3A_187 = vector.broadcast %parallel_loop3A_186 : i32 to vector<16xi32>
      %parallel_loop3A_188 = arith.andi %parallel_loop3A_185, %parallel_loop3A_187 : vector<16xi32>
      %parallel_loop3A_189 = arith.addi %parallel_loop3A_182, %parallel_loop3A_188 : vector<16xi32>
      %parallel_loop3A_190 = arith.constant 16 : i32
      %parallel_loop3A_191 = vector.broadcast %parallel_loop3A_190 : i32 to vector<16xi32>
      %parallel_loop3A_192 = arith.shrui %parallel_loop3A_189, %parallel_loop3A_191 : vector<16xi32>
      %parallel_loop3A_193 = arith.ori %parallel_loop3A_178, %parallel_loop3A_192 : vector<16xi32>
      %parallel_loop3A_194 = tpu.bitcast %parallel_loop3A_193 : vector<16xi32> -> vector<16xi32>
      %parallel_loop3A_195 = arith.index_cast %parallel_loop3A_96 : i32 to index
      %parallel_loop3A_196 = tpu.vector_load %arg12[%parallel_loop3A_195] {strides = array<i32>} : memref<1024xi32, #tpu.memory_space<vmem>>, vector<16xi32>,
      tpu.vector_store %arg12[%parallel_loop3A_195], %parallel_loop3A_194 {strides = array<i32>} : memref<1024xi32, #tpu.memory_space<vmem>>, vector<16xi32>,
    } {sc.loop_unroll_factor = 4 : i64, sc.parallel_access}
    %dma_wait3A = arith.constant 0 : i32
    %dma_wait3A_33 = arith.constant 0 : i32
    %dma_wait3A_34 = tpu.memref_slice %arg6[%dma_wait3A_33] : memref<32768xf32, #tpu.memory_space<vmem>> -> memref<16384xf32, #tpu.memory_space<vmem>>
    %dma_wait3A_35 = tpu.memref_slice %arg2[%add3A_5] : memref<1048576xf32, #tpu.memory_space<hbm>> -> memref<16384xf32, #tpu.memory_space<hbm>>
    %dma_wait3A_36 = tpu.memref_slice %arg13[%dma_wait3A] : memref<2x!tpu.dma_semaphore, #tpu.memory_space<semaphore_mem>> -> memref<1x!tpu.dma_semaphore, #tpu.memory_space<semaphore_mem>>
    %dma_wait3A_37 = tpu.memref_squeeze %dma_wait3A_36 : memref<1x!tpu.dma_semaphore, #tpu.memory_space<semaphore_mem>> -> memref<!tpu.dma_semaphore, #tpu.memory_space<semaphore_mem>>
    %dma_wait3A_38 = arith.constant 0 : i32
    %dma_wait3A_39 = tpu.memref_slice %arg6[%dma_wait3A_38] : memref<32768xf32, #tpu.memory_space<vmem>> -> memref<16384xf32, #tpu.memory_space<vmem>>
    %dma_wait3A_40 = tpu.memref_slice %arg2[%add3A_5] : memref<1048576xf32, #tpu.memory_space<hbm>> -> memref<16384xf32, #tpu.memory_space<hbm>>
    tpu.wait_dma2 semaphore(%dma_wait3A_37 : memref<!tpu.dma_semaphore, #tpu.memory_space<semaphore_mem>>) src(%dma_wait3A_40 : memref<16384xf32, #tpu.memory_space<hbm>>) dst(%dma_wait3A_39 : memref<16384xf32, #tpu.memory_space<vmem>>)
    %parallel_loop3A_41 = arith.constant 0 : i32
    %parallel_loop3A_42 = arith.constant 16384 : i32
    %parallel_loop3A_43 = arith.constant 16 : i32
    scf.for %parallel_loop3A_96 = %parallel_loop3A_41 to %parallel_loop3A_42 step %parallel_loop3A_43  : i32 {
      %parallel_loop3A_97 = arith.index_cast %parallel_loop3A_96 : i32 to index
      %parallel_loop3A_98 = tpu.vector_load %arg6[%parallel_loop3A_97] {strides = array<i32>} : memref<32768xf32, #tpu.memory_space<vmem>>, vector<16xf32>,
      %parallel_loop3A_99 = vector.broadcast %squeeze3A : f32 to vector<16xf32>
      %parallel_loop3A_100 = arith.mulf %parallel_loop3A_98, %parallel_loop3A_99 : vector<16xf32>
      %parallel_loop3A_101 = arith.fptosi %parallel_loop3A_100 : vector<16xf32> to vector<16xi32>
      %parallel_loop3A_102 = arith.constant 1022 : i32
      %parallel_loop3A_103 = vector.broadcast %parallel_loop3A_102 : i32 to vector<16xi32>
      %parallel_loop3A_104 = arith.minsi %parallel_loop3A_101, %parallel_loop3A_103 : vector<16xi32>
      %parallel_loop3A_105 = arith.sitofp %parallel_loop3A_101 : vector<16xi32> to vector<16xf32>
      %parallel_loop3A_106 = arith.subf %parallel_loop3A_100, %parallel_loop3A_105 : vector<16xf32>
      %parallel_loop3A_107 = tpu.vector_load_idx %arg11[%parallel_loop3A_104] : memref<1024xi32, #tpu.memory_space<vmem>>[vector<16xi32>], vector<16xi32>,
      %parallel_loop3A_108 = tpu.bitcast %parallel_loop3A_107 : vector<16xi32> -> vector<16xi32>
      %parallel_loop3A_109 = tpu.vector_load_idx %arg12[%parallel_loop3A_104] : memref<1024xi32, #tpu.memory_space<vmem>>[vector<16xi32>], vector<16xi32>,
      %parallel_loop3A_110 = tpu.bitcast %parallel_loop3A_109 : vector<16xi32> -> vector<16xi32>
      %parallel_loop3A_111 = arith.constant -65536 : i32
      %parallel_loop3A_112 = vector.broadcast %parallel_loop3A_111 : i32 to vector<16xi32>
      %parallel_loop3A_113 = arith.andi %parallel_loop3A_108, %parallel_loop3A_112 : vector<16xi32>
      %parallel_loop3A_114 = tpu.bitcast %parallel_loop3A_113 : vector<16xi32> -> vector<16xf32>
      %parallel_loop3A_115 = arith.constant 16 : i32
      %parallel_loop3A_116 = vector.broadcast %parallel_loop3A_115 : i32 to vector<16xi32>
      %parallel_loop3A_117 = arith.shli %parallel_loop3A_108, %parallel_loop3A_116 : vector<16xi32>
      %parallel_loop3A_118 = tpu.bitcast %parallel_loop3A_117 : vector<16xi32> -> vector<16xf32>
      %parallel_loop3A_119 = arith.constant -65536 : i32
      %parallel_loop3A_120 = vector.broadcast %parallel_loop3A_119 : i32 to vector<16xi32>
      %parallel_loop3A_121 = arith.andi %parallel_loop3A_110, %parallel_loop3A_120 : vector<16xi32>
      %parallel_loop3A_122 = tpu.bitcast %parallel_loop3A_121 : vector<16xi32> -> vector<16xf32>
      %parallel_loop3A_123 = arith.constant 16 : i32
      %parallel_loop3A_124 = vector.broadcast %parallel_loop3A_123 : i32 to vector<16xi32>
      %parallel_loop3A_125 = arith.shli %parallel_loop3A_110, %parallel_loop3A_124 : vector<16xi32>
      %parallel_loop3A_126 = tpu.bitcast %parallel_loop3A_125 : vector<16xi32> -> vector<16xf32>
      %parallel_loop3A_127 = arith.mulf %parallel_loop3A_106, %parallel_loop3A_126 : vector<16xf32>
      %parallel_loop3A_128 = arith.addf %parallel_loop3A_122, %parallel_loop3A_127 : vector<16xf32>
      %parallel_loop3A_129 = arith.mulf %parallel_loop3A_106, %parallel_loop3A_128 : vector<16xf32>
      %parallel_loop3A_130 = arith.addf %parallel_loop3A_118, %parallel_loop3A_129 : vector<16xf32>
      %parallel_loop3A_131 = arith.mulf %parallel_loop3A_106, %parallel_loop3A_130 : vector<16xf32>
      %parallel_loop3A_132 = arith.addf %parallel_loop3A_114, %parallel_loop3A_131 : vector<16xf32>
      %parallel_loop3A_133 = arith.index_cast %parallel_loop3A_96 : i32 to index
      %parallel_loop3A_134 = tpu.vector_load %arg7[%parallel_loop3A_133] {strides = array<i32>} : memref<32768xf32, #tpu.memory_space<vmem>>, vector<16xf32>,
      tpu.vector_store %arg7[%parallel_loop3A_133], %parallel_loop3A_132 {strides = array<i32>} : memref<32768xf32, #tpu.memory_space<vmem>>, vector<16xf32>,
    } {sc.loop_unroll_factor = 8 : i64, sc.parallel_access}
    %add3A_44 = arith.constant 0 : i32
    %add3A_45 = arith.addi %mul3A_3, %add3A_44 : i32
    %dma_start3A_46 = arith.constant 0 : i32
    %dma_start3A_47 = arith.constant 0 : i32
    %dma_start3A_48 = tpu.memref_slice %arg7[%dma_start3A_47] : memref<32768xf32, #tpu.memory_space<vmem>> -> memref<16384xf32, #tpu.memory_space<vmem>>
    %dma_start3A_49 = tpu.memref_slice %arg5[%add3A_45] : memref<1048576xf32, #tpu.memory_space<hbm>> -> memref<16384xf32, #tpu.memory_space<hbm>>
    %dma_start3A_50 = tpu.memref_slice %arg14[%dma_start3A_46] : memref<2x!tpu.dma_semaphore, #tpu.memory_space<semaphore_mem>> -> memref<1x!tpu.dma_semaphore, #tpu.memory_space<semaphore_mem>>
    %dma_start3A_51 = tpu.memref_squeeze %dma_start3A_50 : memref<1x!tpu.dma_semaphore, #tpu.memory_space<semaphore_mem>> -> memref<!tpu.dma_semaphore, #tpu.memory_space<semaphore_mem>>
    %dma_start3A_52 = tpu.memref_slice %arg5[%add3A_45] : memref<1048576xf32, #tpu.memory_space<hbm>> -> memref<16384xf32, #tpu.memory_space<hbm>>
    %dma_start3A_53 = arith.constant 0 : i32
    %dma_start3A_54 = tpu.memref_slice %arg7[%dma_start3A_53] : memref<32768xf32, #tpu.memory_space<vmem>> -> memref<16384xf32, #tpu.memory_space<vmem>>
    tpu.enqueue_dma source(%dma_start3A_54 : memref<16384xf32, #tpu.memory_space<vmem>>) target(%dma_start3A_52 : memref<16384xf32, #tpu.memory_space<hbm>>) target_semaphore(%dma_start3A_51 : memref<!tpu.dma_semaphore, #tpu.memory_space<semaphore_mem>>)
    %dma_wait3A_55 = arith.constant 1 : i32
    %dma_wait3A_56 = arith.constant 16384 : i32
    %dma_wait3A_57 = tpu.memref_slice %arg6[%dma_wait3A_56] : memref<32768xf32, #tpu.memory_space<vmem>> -> memref<16384xf32, #tpu.memory_space<vmem>>
    %dma_wait3A_58 = tpu.memref_slice %arg2[%add3A_15] : memref<1048576xf32, #tpu.memory_space<hbm>> -> memref<16384xf32, #tpu.memory_space<hbm>>
    %dma_wait3A_59 = tpu.memref_slice %arg13[%dma_wait3A_55] : memref<2x!tpu.dma_semaphore, #tpu.memory_space<semaphore_mem>> -> memref<1x!tpu.dma_semaphore, #tpu.memory_space<semaphore_mem>>
    %dma_wait3A_60 = tpu.memref_squeeze %dma_wait3A_59 : memref<1x!tpu.dma_semaphore, #tpu.memory_space<semaphore_mem>> -> memref<!tpu.dma_semaphore, #tpu.memory_space<semaphore_mem>>
    %dma_wait3A_61 = arith.constant 16384 : i32
    %dma_wait3A_62 = tpu.memref_slice %arg6[%dma_wait3A_61] : memref<32768xf32, #tpu.memory_space<vmem>> -> memref<16384xf32, #tpu.memory_space<vmem>>
    %dma_wait3A_63 = tpu.memref_slice %arg2[%add3A_15] : memref<1048576xf32, #tpu.memory_space<hbm>> -> memref<16384xf32, #tpu.memory_space<hbm>>
    tpu.wait_dma2 semaphore(%dma_wait3A_60 : memref<!tpu.dma_semaphore, #tpu.memory_space<semaphore_mem>>) src(%dma_wait3A_63 : memref<16384xf32, #tpu.memory_space<hbm>>) dst(%dma_wait3A_62 : memref<16384xf32, #tpu.memory_space<vmem>>)
    %parallel_loop3A_64 = arith.constant 16384 : i32
    %parallel_loop3A_65 = arith.constant 32768 : i32
    %parallel_loop3A_66 = arith.constant 16 : i32
    scf.for %parallel_loop3A_96 = %parallel_loop3A_64 to %parallel_loop3A_65 step %parallel_loop3A_66  : i32 {
      %parallel_loop3A_97 = arith.index_cast %parallel_loop3A_96 : i32 to index
      %parallel_loop3A_98 = tpu.vector_load %arg6[%parallel_loop3A_97] {strides = array<i32>} : memref<32768xf32, #tpu.memory_space<vmem>>, vector<16xf32>,
      %parallel_loop3A_99 = vector.broadcast %squeeze3A : f32 to vector<16xf32>
      %parallel_loop3A_100 = arith.mulf %parallel_loop3A_98, %parallel_loop3A_99 : vector<16xf32>
      %parallel_loop3A_101 = arith.fptosi %parallel_loop3A_100 : vector<16xf32> to vector<16xi32>
      %parallel_loop3A_102 = arith.constant 1022 : i32
      %parallel_loop3A_103 = vector.broadcast %parallel_loop3A_102 : i32 to vector<16xi32>
      %parallel_loop3A_104 = arith.minsi %parallel_loop3A_101, %parallel_loop3A_103 : vector<16xi32>
      %parallel_loop3A_105 = arith.sitofp %parallel_loop3A_101 : vector<16xi32> to vector<16xf32>
      %parallel_loop3A_106 = arith.subf %parallel_loop3A_100, %parallel_loop3A_105 : vector<16xf32>
      %parallel_loop3A_107 = tpu.vector_load_idx %arg11[%parallel_loop3A_104] : memref<1024xi32, #tpu.memory_space<vmem>>[vector<16xi32>], vector<16xi32>,
      %parallel_loop3A_108 = tpu.bitcast %parallel_loop3A_107 : vector<16xi32> -> vector<16xi32>
      %parallel_loop3A_109 = tpu.vector_load_idx %arg12[%parallel_loop3A_104] : memref<1024xi32, #tpu.memory_space<vmem>>[vector<16xi32>], vector<16xi32>,
      %parallel_loop3A_110 = tpu.bitcast %parallel_loop3A_109 : vector<16xi32> -> vector<16xi32>
      %parallel_loop3A_111 = arith.constant -65536 : i32
      %parallel_loop3A_112 = vector.broadcast %parallel_loop3A_111 : i32 to vector<16xi32>
      %parallel_loop3A_113 = arith.andi %parallel_loop3A_108, %parallel_loop3A_112 : vector<16xi32>
      %parallel_loop3A_114 = tpu.bitcast %parallel_loop3A_113 : vector<16xi32> -> vector<16xf32>
      %parallel_loop3A_115 = arith.constant 16 : i32
      %parallel_loop3A_116 = vector.broadcast %parallel_loop3A_115 : i32 to vector<16xi32>
      %parallel_loop3A_117 = arith.shli %parallel_loop3A_108, %parallel_loop3A_116 : vector<16xi32>
      %parallel_loop3A_118 = tpu.bitcast %parallel_loop3A_117 : vector<16xi32> -> vector<16xf32>
      %parallel_loop3A_119 = arith.constant -65536 : i32
      %parallel_loop3A_120 = vector.broadcast %parallel_loop3A_119 : i32 to vector<16xi32>
      %parallel_loop3A_121 = arith.andi %parallel_loop3A_110, %parallel_loop3A_120 : vector<16xi32>
      %parallel_loop3A_122 = tpu.bitcast %parallel_loop3A_121 : vector<16xi32> -> vector<16xf32>
      %parallel_loop3A_123 = arith.constant 16 : i32
      %parallel_loop3A_124 = vector.broadcast %parallel_loop3A_123 : i32 to vector<16xi32>
      %parallel_loop3A_125 = arith.shli %parallel_loop3A_110, %parallel_loop3A_124 : vector<16xi32>
      %parallel_loop3A_126 = tpu.bitcast %parallel_loop3A_125 : vector<16xi32> -> vector<16xf32>
      %parallel_loop3A_127 = arith.mulf %parallel_loop3A_106, %parallel_loop3A_126 : vector<16xf32>
      %parallel_loop3A_128 = arith.addf %parallel_loop3A_122, %parallel_loop3A_127 : vector<16xf32>
      %parallel_loop3A_129 = arith.mulf %parallel_loop3A_106, %parallel_loop3A_128 : vector<16xf32>
      %parallel_loop3A_130 = arith.addf %parallel_loop3A_118, %parallel_loop3A_129 : vector<16xf32>
      %parallel_loop3A_131 = arith.mulf %parallel_loop3A_106, %parallel_loop3A_130 : vector<16xf32>
      %parallel_loop3A_132 = arith.addf %parallel_loop3A_114, %parallel_loop3A_131 : vector<16xf32>
      %parallel_loop3A_133 = arith.index_cast %parallel_loop3A_96 : i32 to index
      %parallel_loop3A_134 = tpu.vector_load %arg7[%parallel_loop3A_133] {strides = array<i32>} : memref<32768xf32, #tpu.memory_space<vmem>>, vector<16xf32>,
      tpu.vector_store %arg7[%parallel_loop3A_133], %parallel_loop3A_132 {strides = array<i32>} : memref<32768xf32, #tpu.memory_space<vmem>>, vector<16xf32>,
    } {sc.loop_unroll_factor = 8 : i64, sc.parallel_access}
    %add3A_67 = arith.constant 16384 : i32
    %add3A_68 = arith.addi %mul3A_3, %add3A_67 : i32
    %dma_start3A_69 = arith.constant 1 : i32
    %dma_start3A_70 = arith.constant 16384 : i32
    %dma_start3A_71 = tpu.memref_slice %arg7[%dma_start3A_70] : memref<32768xf32, #tpu.memory_space<vmem>> -> memref<16384xf32, #tpu.memory_space<vmem>>
    %dma_start3A_72 = tpu.memref_slice %arg5[%add3A_68] : memref<1048576xf32, #tpu.memory_space<hbm>> -> memref<16384xf32, #tpu.memory_space<hbm>>
    %dma_start3A_73 = tpu.memref_slice %arg14[%dma_start3A_69] : memref<2x!tpu.dma_semaphore, #tpu.memory_space<semaphore_mem>> -> memref<1x!tpu.dma_semaphore, #tpu.memory_space<semaphore_mem>>
    %dma_start3A_74 = tpu.memref_squeeze %dma_start3A_73 : memref<1x!tpu.dma_semaphore, #tpu.memory_space<semaphore_mem>> -> memref<!tpu.dma_semaphore, #tpu.memory_space<semaphore_mem>>
    %dma_start3A_75 = tpu.memref_slice %arg5[%add3A_68] : memref<1048576xf32, #tpu.memory_space<hbm>> -> memref<16384xf32, #tpu.memory_space<hbm>>
    %dma_start3A_76 = arith.constant 16384 : i32
    %dma_start3A_77 = tpu.memref_slice %arg7[%dma_start3A_76] : memref<32768xf32, #tpu.memory_space<vmem>> -> memref<16384xf32, #tpu.memory_space<vmem>>
    tpu.enqueue_dma source(%dma_start3A_77 : memref<16384xf32, #tpu.memory_space<vmem>>) target(%dma_start3A_75 : memref<16384xf32, #tpu.memory_space<hbm>>) target_semaphore(%dma_start3A_74 : memref<!tpu.dma_semaphore, #tpu.memory_space<semaphore_mem>>)
    %dma_wait3A_78 = arith.constant 0 : i32
    %dma_wait3A_79 = arith.constant 0 : i32
    %dma_wait3A_80 = tpu.memref_slice %arg7[%dma_wait3A_79] : memref<32768xf32, #tpu.memory_space<vmem>> -> memref<16384xf32, #tpu.memory_space<vmem>>
    %dma_wait3A_81 = tpu.memref_slice %arg5[%add3A_45] : memref<1048576xf32, #tpu.memory_space<hbm>> -> memref<16384xf32, #tpu.memory_space<hbm>>
    %dma_wait3A_82 = tpu.memref_slice %arg14[%dma_wait3A_78] : memref<2x!tpu.dma_semaphore, #tpu.memory_space<semaphore_mem>> -> memref<1x!tpu.dma_semaphore, #tpu.memory_space<semaphore_mem>>
    %dma_wait3A_83 = tpu.memref_squeeze %dma_wait3A_82 : memref<1x!tpu.dma_semaphore, #tpu.memory_space<semaphore_mem>> -> memref<!tpu.dma_semaphore, #tpu.memory_space<semaphore_mem>>
    %dma_wait3A_84 = tpu.memref_slice %arg5[%add3A_45] : memref<1048576xf32, #tpu.memory_space<hbm>> -> memref<16384xf32, #tpu.memory_space<hbm>>
    %dma_wait3A_85 = arith.constant 0 : i32
    %dma_wait3A_86 = tpu.memref_slice %arg7[%dma_wait3A_85] : memref<32768xf32, #tpu.memory_space<vmem>> -> memref<16384xf32, #tpu.memory_space<vmem>>
    tpu.wait_dma2 semaphore(%dma_wait3A_83 : memref<!tpu.dma_semaphore, #tpu.memory_space<semaphore_mem>>) src(%dma_wait3A_86 : memref<16384xf32, #tpu.memory_space<vmem>>) dst(%dma_wait3A_84 : memref<16384xf32, #tpu.memory_space<hbm>>)
    %dma_wait3A_87 = arith.constant 1 : i32
    %dma_wait3A_88 = arith.constant 16384 : i32
    %dma_wait3A_89 = tpu.memref_slice %arg7[%dma_wait3A_88] : memref<32768xf32, #tpu.memory_space<vmem>> -> memref<16384xf32, #tpu.memory_space<vmem>>
    %dma_wait3A_90 = tpu.memref_slice %arg5[%add3A_68] : memref<1048576xf32, #tpu.memory_space<hbm>> -> memref<16384xf32, #tpu.memory_space<hbm>>
    %dma_wait3A_91 = tpu.memref_slice %arg14[%dma_wait3A_87] : memref<2x!tpu.dma_semaphore, #tpu.memory_space<semaphore_mem>> -> memref<1x!tpu.dma_semaphore, #tpu.memory_space<semaphore_mem>>
    %dma_wait3A_92 = tpu.memref_squeeze %dma_wait3A_91 : memref<1x!tpu.dma_semaphore, #tpu.memory_space<semaphore_mem>> -> memref<!tpu.dma_semaphore, #tpu.memory_space<semaphore_mem>>
    %dma_wait3A_93 = tpu.memref_slice %arg5[%add3A_68] : memref<1048576xf32, #tpu.memory_space<hbm>> -> memref<16384xf32, #tpu.memory_space<hbm>>
    %dma_wait3A_94 = arith.constant 16384 : i32
    %dma_wait3A_95 = tpu.memref_slice %arg7[%dma_wait3A_94] : memref<32768xf32, #tpu.memory_space<vmem>> -> memref<16384xf32, #tpu.memory_space<vmem>>
    tpu.wait_dma2 semaphore(%dma_wait3A_92 : memref<!tpu.dma_semaphore, #tpu.memory_space<semaphore_mem>>) src(%dma_wait3A_95 : memref<16384xf32, #tpu.memory_space<vmem>>) dst(%dma_wait3A_93 : memref<16384xf32, #tpu.memory_space<hbm>>)
    return
  }
}

</mosaic_0001>

<sc_bundles>
// kernel: kernel.3.cloned.1.call-start
scs
__scs_entry_jumppad:
0x0: {  	(pc) =	sbr.rel $0x88, $3  }
0x1: {  	(tag) =	ssettag $0x0;
	lr =	simm.s32 $0x1  }
0x2: {  	[smem:$0x3F9F] =	sst lr;
	_ =	strace $0xD0000000  }
0x3: {  	_ = 	snop  }
0x4: {  	_ = 	snop  }
0x5: {  	_ = 	snop  }
0x6: {  	_ = 	snop  }
0x7: {  	_ = 	snop  }
__scs_overlays_trampoline_lowered:
0x8: {  	[smem:$0x3FAE] =	sst s0  }
0x9: {  	[smem:$0x3FAF] =	sst s1  }
0xa: {  	[smem:$0x3FB0] =	sst s2  }
0xb: {  	[smem:$0x3FB1] =	sst s3  }
0xc: {  	[smem:$0x3FB2] =	sst s4  }
0xd: {  	[smem:$0x3FB3] =	sst s5  }
0xe: {  	[smem:$0x3FB4] =	sst s6  }
0xf: {  	[smem:$0x3FB5] =	sst s7  }
0x10: {  	[smem:$0x3FB6] =	sst s8  }
0x11: {  	[smem:$0x3FB7] =	sst s9;
	s0 =	simm.s32 @!p0 $0x0  }
0x12: {  	s1 =	sld [smem:$0x3F9D];
	s0 =	simm.s32 @p0 $0x1  }
0x13: {  	[smem:$0x3FB8] =	sst s0;
	s0 =	simm.s32 @!p1 $0x0  }
0x14: {  	s2 =	sld [smem:$0x3F9C];
	s0 =	simm.s32 @p1 $0x1  }
0x15: {  	[smem:$0x3FB9] =	sst s0;
	s0 =	simm.s32 @!p2 $0x0  }
0x16: {  	s3 =	sld [smem:$0x3FDB];
	s0 =	simm.s32 @p2 $0x1  }
0x17: {  	s4 =	simm.s32 $0x1BF5;
	[smem:$0x3FBB] =	sst s0  }
0x18: {  	s0 =	sld [smem:$0x3F9E];
	_ =	swait.ge [sflag:s4], $0x0  }
0x19: {  	s7 =	sld [smem:$0x3F9F]  }
0x1a: {  	s8 =	sadd.s32 $0xFFFFE003, lr  }
0x1b: {  	s9 =	sadd.s32 $0xFFFFFEF7, lr;
	s5 =	simm.s32 $0xFFFFFFFF;
	p2 =	slt.u32 s8, $0xFFFFF086  }
0x1c: {  	p1 =	slt.u32 s9, $0xF7A;
	s5 =	simm.s32 @!p2 $0x0  }
0x1d: {  	s5 =	simm.s32 @p1 $0x1;
	p0 =	seq.s32 s7, s2  }
0x1e: {  	s7 =	smul.u32 @!p0 $0xF7A, s2;
	p2 =	seq.s32 @!p0 s5, $0x0  }
0x1f: {  	s9 =	smul.u32 $0xF7A, s1;
	s8 =	simm.s32 @!p0 $0x1BF5;
	p2 =	por !p2, p0  }
0x20: {  	[sflag:s8] =	ssyncset.s32 @!p0 $0xFFFFF086;
	s6 =	sadd.s32 @!p0 s3, s7;
	s7 =	simm.s32 @!p0 $0x108  }
0x21: {  	s3 =	sadd.s32 s3, s9;
	s6 =	sadd.s32 @!p0 $0x88, s6;
	s7 =	simm.s32 @p2 $0x1082  }
0x22: {  	[simem:s7], [sflag:s8] =	dma.local @!p0 [hbm:s6], $0xF7A  }
0x23: {  	s9 =	sor.u32 $0xD0000000, s2;
	s6 =	simm.s32 $0x108;
	_ =	swait.ge @!p0 [sflag:s8], $0x0  }
0x24: {  	s3 =	sadd.s32 $0x88, s3;
	s6 =	simm.s32 @!p1 $0x1082;
	[sflag:s4] =	ssyncset.s32 $0xFFFFF086  }
0x25: {  	[simem:s6], [sflag:s4] =	dma.local [hbm:s3], $0xF7A  }
0x26: {  	[smem:$0x3F9F] =	sst s1;
	(tag) =	ssettag s2;
	_ =	strace s9  }
0x27: {  	s1 =	sld [smem:$0x3FAF]  }
0x28: {  	s2 =	sld [smem:$0x3FB0]  }
0x29: {  	s4 =	sld [smem:$0x3FB2]  }
0x2a: {  	p0 =	seq.s32 s5, $0x0;
	s5 =	sld [smem:$0x3FB3]  }
0x2b: {  	s6 =	sld [smem:$0x3FB4]  }
0x2c: {  	s7 =	sld [smem:$0x3FB5]  }
0x2d: {  	s3 =	simm.s32 $0x108;
	s8 =	sld [smem:$0x3FB6]  }
0x2e: {  	s3 =	simm.s32 @!p0 $0x1082;
	s9 =	sld [smem:$0x3FB7]  }
0x2f: {  	lr =	sadd.s32 s0, s3;
	s0 =	sld [smem:$0x3FAE]  }
0x30: {  	s3 =	sld [smem:$0x3FB1]  }
0x31: {  	[smem:$0x3FBA] =	sst s10  }
0x32: {  	s10 =	sld [smem:$0x3FB8];
	_ =	sdelay $0x3  }
0x33: {  	p0 =	seq.s32 s10, $0x1;
	s10 =	sld [smem:$0x3FBA];
	_ =	sdelay $0x3  }
0x34: {  	[smem:$0x3FBA] =	sst s10  }
0x35: {  	s10 =	sld [smem:$0x3FB9];
	_ =	sdelay $0x3  }
0x36: {  	p1 =	seq.s32 s10, $0x1;
	s10 =	sld [smem:$0x3FBA];
	_ =	sdelay $0x3  }
0x37: {  	[smem:$0x3FBA] =	sst s10  }
0x38: {  	s10 =	sld [smem:$0x3FBB]  }
0x39: {  	_ = 	snop;
	(pc) =	sbr.ind lr, $3  }
0x3a: {  	_ = 	snop  }
0x3b: {  	_ = 	snop  }
0x3c: {  	p2 =	seq.s32 s10, $0x1;
	s10 =	sld [smem:$0x3FBA]  }
0x3d: {  	_ =	shalt  }
0x3e: {  	_ =	shalt  }
0x3f: {  	_ =	shalt  }
0x40: {  	_ =	shalt  }
0x41: {  	_ =	shalt  }
0x42: {  	_ =	shalt  }
0x43: {  	_ =	shalt  }
0x44: {  	_ =	shalt  }
0x45: {  	_ =	shalt  }
0x46: {  	_ =	shalt  }
0x47: {  	_ =	shalt  }
0x48: {  	_ =	shalt  }
0x49: {  	_ =	shalt  }
0x4a: {  	_ =	shalt  }
0x4b: {  	_ =	shalt  }
0x4c: {  	_ =	shalt  }
0x4d: {  	_ =	shalt  }
0x4e: {  	_ =	shalt  }
0x4f: {  	_ =	shalt  }
0x50: {  	_ =	shalt  }
0x51: {  	_ =	shalt  }
0x52: {  	_ =	shalt  }
0x53: {  	_ =	shalt  }
0x54: {  	_ =	shalt  }
0x55: {  	_ =	shalt  }
0x56: {  	_ =	shalt  }
0x57: {  	_ =	shalt  }
0x58: {  	_ =	shalt  }
0x59: {  	_ =	shalt  }
0x5a: {  	_ =	shalt  }
0x5b: {  	_ =	shalt  }
0x5c: {  	_ =	shalt  }
0x5d: {  	_ =	shalt  }
0x5e: {  	_ =	shalt  }
0x5f: {  	_ =	shalt  }
0x60: {  	_ =	shalt  }
0x61: {  	_ =	shalt  }
0x62: {  	_ =	shalt  }
0x63: {  	_ =	shalt  }
0x64: {  	_ =	shalt  }
0x65: {  	_ =	shalt  }
0x66: {  	_ =	shalt  }
0x67: {  	_ =	shalt  }
0x68: {  	_ =	shalt  }
0x69: {  	_ =	shalt  }
0x6a: {  	_ =	shalt  }
0x6b: {  	_ =	shalt  }
0x6c: {  	_ =	shalt  }
0x6d: {  	_ =	shalt  }
0x6e: {  	_ =	shalt  }
0x6f: {  	_ =	shalt  }
0x70: {  	_ =	shalt  }
0x71: {  	_ =	shalt  }
0x72: {  	_ =	shalt  }
0x73: {  	_ =	shalt  }
0x74: {  	_ =	shalt  }
0x75: {  	_ =	shalt  }
0x76: {  	_ =	shalt  }
0x77: {  	_ =	shalt  }
0x78: {  	_ =	shalt  }
0x79: {  	_ =	shalt  }
0x7a: {  	_ =	shalt  }
0x7b: {  	_ =	shalt  }
0x7c: {  	_ =	shalt  }
0x7d: {  	_ =	shalt  }
0x7e: {  	_ =	shalt  }
0x7f: {  	_ =	shalt  }
0x80: {  	_ =	shalt  }
0x81: {  	_ =	shalt  }
0x82: {  	_ =	shalt  }
0x83: {  	_ =	shalt  }
0x84: {  	_ =	shalt  }
0x85: {  	_ =	shalt  }
0x86: {  	_ =	shalt  }
0x87: {  	_ =	shalt  }
.Lfunc_end0:
.L_simem_size_0:
called_computation_lowered:
.L_overlay_start_0:
0x88: {  	s2 =	sld [smem:$0x3FD9]  }
0x89: {  	s3 =	sld [smem:$0x3FFE];
	_ =	sdelay $0x1  }
0x8a: {  	s1 =	srdreg.scid  }
0x8b: {  	s0 =	sand.u32 $0x1, s1  }
0x8c: {  	s17 =	sshll.u32 s0, $0xA;
	s2 =	sadd.s32 s3, s2  }
0x8d: {  	s2 =	sadd.s32 s2, s17  }
0x8e: {  	[smem:$0x3FC6] =	sst s2  }
0x8f: {  	_ = 	snop  }
0x90: {  	s2 =	sld [smem:$0x3FC9]  }
0x91: {  	s18 =	sld [smem:$0x3FC8]  }
0x92: {  	s4 =	sld [smem:$0x3FD0];
	(tm) =	ssettm $0x1  }
0x93: {  	s5 =	sld [smem:$0x3FFB];
	_ =	sdelay $0x3  }
0x94: {  	_ =	strace s5  }
0x95: {  	s5 =	sld [smem:$0x3FFC];
	_ =	sdelay $0x3  }
0x96: {  	_ =	strace s5  }
0x97: {  	s5 =	sld [smem:$0x3FFD];
	_ =	sdelay $0x3  }
0x98: {  	_ =	strace s5  }
0x99: {  	_ =	strace $0x8FFFFFFF  }
0x9a: {  	s19 =	sld [smem:$0x3FDB];
	_ =	sdelay $0x1  }
0x9b: {  	s6 =	simm.s32 $_scs_section_size  }
0x9c: {  	s7 =	simm.s32 $_size__tile_overlayer_lowered;
	s8 =	simm.s32 $_tile_overlayer_lowered  }
0x9d: {  	s22 =	simm.s32 $0x1BFF;
	s21 =	sshll.u32 s8, $0x1;
	s5 =	sadd.s32 s6, s19  }
0x9e: {  	s9 =	simm.s32 $0x0;
	s20 =	sshll.u32 s7, $0x1;
	s7 =	sadd.s32 s21, s5  }
0x9f: {  	[timem:s9], [sflag:s22] =	dma.local [hbm:s7], s20  }
0xa0: {  	_ =	swait.ge [sflag:s22], s20  }
0xa1: {  	s6 =	ssub.s32 $0x0, s20;
	[sflag:s22] =	ssyncset.done $0x0  }
0xa2: {  	[sflag:s22] =	ssyncadd.s32 s6;
	_ =	sdelay $0x1  }
0xa3: {  	s23 =	simm.s32 $0x1B8B  }
0xa4: {  	_ =	swait.ge [sflag:s23], $0x1  }
0xa5: {  	[sflag:s23] =	ssyncset.done $0x0  }
0xa6: {  	s25 =	simm.s32 $0x1B8E;
	s24 =	sld [smem:$0x3FFE];
	[sflag:s23] =	ssyncadd.s32 $0xFFFFFFFF  }
0xa7: {  	s26 =	simm.s32 $execute0_lowered;
	[smem:$0x3FD2] =	sst s25  }
0xa8: {  	s7 =	sshll.u32 s26, $0x1;
	_ =	strace $0x80000046;
	[dreg:$0x1] =	wrdreg $0xFFFFFFFF  }
0xa9: {  	s28 =	simm.s32 $_size_execute0_lowered;
	s5 =	sadd.s32 s5, s7;
	[dreg:$0x0] =	wrdreg $0x0  }
0xaa: {  	s7 =	sshll.u32 s28, $0x1;
	[dreg:$0x2] =	wrdreg s5  }
0xab: {  	[dreg:$0x3] =	wrdreg s7  }
0xac: {  	[dreg:$0x4] =	wrdreg $0xC0  }
0xad: {  	_ =	task [dreg:s9], $0x5FFFF  }
0xae: {  	[dreg:$0x1] =	wrdreg $0xFFFFFFFF  }
0xaf: {  	[dreg:$0x0] =	wrdreg $0x60  }
0xb0: {  	[dreg:$0x2] =	wrdreg s2  }
0xb1: {  	[dreg:$0x3] =	wrdreg s18  }
0xb2: {  	[dreg:$0x4] =	wrdreg s24  }
0xb3: {  	[dreg:$0x5] =	wrdreg s4  }
0xb4: {  	[dreg:$0x6] =	wrdreg $0x9  }
0xb5: {  	_ =	task.clear_ibuf [dreg:s9], $0x7FFFF;
	_ =	strace $0x90000046  }
0xb6: {  	s29 =	simm.s32 $0x9;
	_ =	strace $0x80000048  }
0xb7: {  	_ =	swait.ge [sflag:s29], $0x1  }
0xb8: {  	[sflag:s29] =	ssyncadd.s32 $0xFFFFFFFF  }
0xb9: {  	_ =	strace $0x90000048  }
0xba: {  	_ =	sfence  }
0xbb: {  	s30 =	sld [smem:$0x0];
	_ =	sdelay $0x2  }
0xbc: {  	s31 =	sshll.u32 s1, $0xD;
	s1 =	sshrl.u32 s1, $0x2  }
0xbd: {  	s3 =	sand.u32 $0x4000, s31;
	s1 =	sadd.s32 s1, s30  }
0xbe: {  	s0 =	sor.u32 s3, s0;
	s1 =	sshll.u32 s1, $0x11  }
0xbf: {  	s0 =	sor.u32 s1, s0  }
0xc0: {  	s0 =	sadd.s32 $0x8F2B, s0  }
0xc1: {  	[sflag:s0] =	ssyncadd.remote.s32 $0x1  }
0xc2: {  	_ =	sfence.sel $0xFFFF  }
0xc3: {  	[dreg:$0x0] =	wrdreg $0xFFFFFFFF;
	(pc) =	sbr.abs _section_cstart, $3  }
0xc4: {  	[dreg:$0x1] =	wrdreg $0xFFFFFFFF  }
0xc5: {  	_ =	task.clear_ibuf [dreg:s9], $0x2FFFF;
	_ =	strace $0x9FFFFFFF  }
0xc6: {  	(tm) =	ssettm $0x7FFFFFFF  }
0xc7: {  	_ =	shalt  }
tec
execute0_lowered:
.L_overlay_start_1:
0x0: {  	(tag) =	ssettag $0x1  }
0x1: {  	s0 =	rddreg [dreg:$0x0]  }
0x2: {  	s1 =	rddreg [dreg:$0x2]  }
0x3: {  	s2 =	rddreg [dreg:$0x3];
	s3 =	simm.s32 $0x0;
	s4 =	srdreg.scid  }
0x4: {  	s6 =	stileid.u32;
	s11 =	simm.s32 $0x6;
	s13 =	simm.s32 $0x10000  }
0x5: {  	s14 =	simm.s32 $0x5;
	s15 =	simm.s32 $0x10400;
	s16 =	simm.s32 $0x10800  }
0x6: {  	s17 =	simm.s32 $0x1;
	s18 =	simm.s32 $0x10C00;
	s19 =	simm.s32 $0x11000  }
0x7: {  	s21 =	simm.s32 $0x2;
	s22 =	simm.s32 $0xC000;
	s23 =	simm.s32 $0x3  }
0x8: {  	s24 =	simm.s32 $0x4;
	s25 =	simm.s32 $0x0;
	s4 =	sand.u32 $0x1, s4  }
0x9: {  	[smem:$0x7FF] =	sst s3;
	s6 =	sshll.u32 s6, $0xD;
	s5 =	ssub.s32 $0x2, s4  }
0xa: {  	s4 =	sshll.u32 s4, $0xC;
	_ =	strace $0x80000047;
	s7 =	sshrl.u32 s5, $0x1  }
0xb: {  	s8 =	sor.u32 s4, s6;
	s4 =	sadd.s32 $0x400, s1;
	s31 =	ssub.s32 s5, s7  }
0xc: {  	v0 =	vlaneseq.u32;
	s9 =	sor.u32 $0x800, s8;
	s5 =	sadd.s32 s0, s8;
	s7 =	sadd.s32 s2, s8  }
0xd: {  	v1 =	vadd.s32 $0x1, v0;
	v2 =	vadd.s32 $0xFFFFFFFF, v0;
	s6 =	sadd.s32 s0, s9;
	s8 =	sadd.s32 s2, s9;
	s9 =	smax.u32 s31, $0x1  }
.LBB2_1:
0xe: {  	s0 =	simm.s32 $0x11400  }
0xf: {  	[tilespmem:s0], [sflag:$0x6] =	stream.linear.gather [hbm4b:s4+s3], $0x1, $0x38;
	[tilespmem:$0x11480] =	vst v63  }
0x10: {  	_ =	swait.ge [sflag:s11], $0x1  }
0x11: {  	[sflag:s11] =	ssyncset.done $0x0  }
0x12: {  	[sflag:s11] =	ssyncadd.s32 $0xFFFFFFFF  }
0x13: {  	v3 =	vld [tilespmem:$0x11400];
	[tilespmem:s3], [sflag:$0x1] =	stream.linear.gather [hbm4b:s5+s3], $0x4000, $0x38  }
0x14: {  	s20 =	simm.s32 $0x4000  }
0x15: {  	[tilespmem:s20], [sflag:$0x2] =	stream.linear.gather [hbm4b:s6+s3], $0x4000, $0x38;
	[tilespmem:$0x11480] =	vst v63  }
0x16: {  	v4 =	vor.u32 s3, v0;
	s28 =	simm.s32 $0x10;
	s1 =	simm.s32 $0x30;
	s26 =	rddreg [dreg:$0x1]  }
0x17: {  	v5 =	vor.u32 s28, v0;
	[tilespmem:s13], [sflag:$0x5] =	stream.linear.gather [hbm4b:s26+s3], $0x400, $0x38;
	[tilespmem:$0x11480] =	vst v63  }
0x18: {  	v6 =	vadd.s32 s28, v1;
	v7 =	vadd.s32 s1, v1;
	_ =	swait.ge [sflag:s14], $0x400  }
0x19: {  	v8 =	vor.u32 s1, v0;
	vm0 =	vlt.s32 v7, $0x3FF;
	[sflag:s14] =	ssyncset.done $0x0  }
0x1a: {  	s29 =	simm.s32 $0x20;
	v7 =	vnsel vm0, $0x3FF, v7;
	[sflag:s14] =	ssyncadd.s32 $0xFFFFFC00  }
0x1b: {  	v9 =	vor.u32 s29, v0;
	v4 =	vld.idx.msk [tilespmem:v4+s13+$0x0], $0xffff  }
0x1c: {  	v11 =	vor.u32 s3, v1;
	v10 =	vld.idx.msk [tilespmem:v5+s13+$0x0], $0xffff  }
0x1d: {  	s2 =	simm.s32 $0x40;
	v5 =	vor.u32 s29, v1;
	v13 =	vld.idx.msk [tilespmem:v6+s13+$0x0], $0xffff  }
0x1e: {  	s30 =	simm.s32 $0x50;
	s31 =	simm.s32 $0x70;
	v6 =	vor.u32 s2, v0;
	v12 =	vld.idx.msk [tilespmem:v8+s13+$0x0], $0xffff  }
0x1f: {  	v14 =	vor.u32 s30, v0;
	v16 =	vld.idx.msk [tilespmem:v7+s13+$0x0], $0xffff;
	v8 =	vadd.s32 s31, v1  }
0x20: {  	v7 =	vadd.s32 s30, v1;
	v17 =	vld.idx.msk [tilespmem:v9+s13+$0x0], $0xffff;
	vm15 =	vlt.s32 v8, $0x3FF  }
0x21: {  	v9 =	vor.u32 s31, v0;
	v19 =	vnsel vm15, $0x3FF, v8;
	v8 =	vld.idx.msk [tilespmem:v11+s13+$0x0], $0xffff  }
0x22: {  	s10 =	simm.s32 $0x60;
	v18 =	vld.idx.msk [tilespmem:v5+s13+$0x0], $0xffff  }
0x23: {  	v15 =	vor.u32 s10, v0;
	v5 =	vld.idx.msk [tilespmem:v6+s13+$0x0], $0xffff  }
0x24: {  	v6 =	vld.idx.msk [tilespmem:v14+s13+$0x0], $0xffff;
	v14 =	vor.u32 s10, v1  }
0x25: {  	s1 =	simm.s32 $0x80;
	v11 =	vor.u32 s2, v1;
	v7 =	vld.idx.msk [tilespmem:v7+s13+$0x0], $0xffff;
	v20 =	vsub.f32 v16, v12  }
0x26: {  	s0 =	simm.s32 $0x10420;
	v12 =	vor.u32 s1, v0;
	s10 =	simm.s32 $0x90;
	v9 =	vld.idx.msk [tilespmem:v9+s13+$0x0], $0xffff;
	v16 =	vsub.f32 v13, v10  }
0x27: {  	s12 =	simm.s32 $0xB0;
	s2 =	simm.s32 $0xC0;
	v13 =	vor.u32 s10, v0;
	v10 =	vld.idx.msk [tilespmem:v19+s13+$0x0], $0xffff;
	[tilespmem:s0+$0x10] =	vst v20;
	v17 =	vsub.f32 v18, v17  }
.LBB2_2:
0x28: {  	p0 =	slt.u32 s2, $0x3C0;
	v18 =	vadd.s32 s10, v1;
	v22 =	vadd.s32 s12, v1;
	v20 =	vld.idx.msk [tilespmem:v15+s13+$0x0], $0xffff;
	v15 =	vsub.f32 v8, v4;
	[tilespmem:s0+$0xFFFFFFF0] =	vst v16  }
0x29: {  	v16 =	vor.u32 s12, v0;
	v4 =	vmov v5;
	vm0 =	vlt.s32 v22, $0x3FF;
	v21 =	vld.idx.msk [tilespmem:v14+s13+$0x0], $0xffff;
	[tilespmem:s0+$0x0] =	vst v17  }
0x2a: {  	s10 =	sadd.s32 $0x20, s1;
	v19 =	vmov v6;
	v17 =	vnsel vm0, $0x3FF, v22;
	v8 =	vld.idx.msk [tilespmem:v11+s13+$0x0], $0xffff;
	[tilespmem:s0+$0xFFFFFFE0] =	vst v15  }
.Ltmp0:
0x2b: {  	v15 =	vor.u32 s10, v0;
	v5 =	vld.idx.msk [tilespmem:v12+s13+$0x0], $0xffff;
	v22 =	vmov v7;
	(pc) =	sbr.rel @p0 .LBB2_2-.Ltmp0, $4  }
0x2c: {  	v14 =	vor.u32 s10, v1;
	v6 =	vld.idx.msk [tilespmem:v13+s13+$0x0], $0xffff  }
0x2d: {  	v11 =	vor.u32 s1, v1;
	s1 =	smov.u32 s2;
	v7 =	vld.idx.msk [tilespmem:v18+s13+$0x0], $0xffff;
	v18 =	vsub.f32 v10, v9  }
0x2e: {  	s10 =	sadd.s32 $0x10, s2;
	s0 =	sadd.s32 $0x40, s0;
	v12 =	vor.u32 s2, v0;
	v9 =	vld.idx.msk [tilespmem:v16+s13+$0x0], $0xffff;
	v16 =	vsub.f32 v22, v19  }
0x2f: {  	s12 =	sadd.s32 $0x30, s1;
	s2 =	sadd.s32 $0x40, s2;
	v13 =	vor.u32 s10, v0;
	v10 =	vld.idx.msk [tilespmem:v17+s13+$0x0], $0xffff;
	v17 =	vsub.f32 v21, v20;
	[tilespmem:s0+$0x10] =	vst v18  }
0x30: {  	_ =	sdelay $0x3  }
0x31: {  	v18 =	vadd.s32 s10, v1;
	v15 =	vld.idx.msk [tilespmem:v15+s13+$0x0], $0xffff  }
0x32: {  	v19 =	vadd.s32 s12, v1;
	v20 =	vor.u32 s12, v0;
	v14 =	vld.idx.msk [tilespmem:v14+s13+$0x0], $0xffff;
	s2 =	sadd.s32 $0x20, s1  }
0x33: {  	v11 =	vld.idx.msk [tilespmem:v11+s13+$0x0], $0xffff;
	vm0 =	vlt.s32 v19, $0x3FF;
	v21 =	vor.u32 s2, v0  }
0x34: {  	v12 =	vld.idx.msk [tilespmem:v12+s13+$0x0], $0xffff;
	v19 =	vnsel vm0, $0x3FF, v19  }
0x35: {  	v13 =	vld.idx.msk [tilespmem:v13+s13+$0x0], $0xffff;
	v22 =	vor.u32 s2, v1  }
0x36: {  	v23 =	vor.u32 s1, v1;
	v18 =	vld.idx.msk [tilespmem:v18+s13+$0x0], $0xffff  }
0x37: {  	v4 =	vsub.f32 v8, v4;
	v20 =	vld.idx.msk [tilespmem:v20+s13+$0x0], $0xffff  }
0x38: {  	[tilespmem:s0+$0xFFFFFFF0] =	vst v16;
	v62 =	vld.idx.msk [tilespmem:v21+s13+$0x0], $0xffff  }
0x39: {  	[tilespmem:s0+$0xFFFFFFE0] =	vst v4;
	v4 =	vsub.f32 v7, v6;
	v8 =	vld.idx.msk [tilespmem:v19+s13+$0x0], $0xffff  }
0x3a: {  	s20 =	sadd.s32 $0x40, s0;
	[tilespmem:s0+$0x0] =	vst v17;
	v9 =	vsub.f32 v10, v9;
	v6 =	vld.idx.msk [tilespmem:v22+s13+$0x0], $0xffff  }
0x3b: {  	[tilespmem:s20+$0xFFFFFFF0] =	vst v4;
	v63 =	vld.idx.msk [tilespmem:v23+s13+$0x0], $0xffff;
	v5 =	vsub.f32 v11, v5  }
0x3c: {  	v7 =	vsub.f32 v14, v15;
	[tilespmem:s20+$0x10] =	vst v9  }
0x3d: {  	p0 =	por $0x1, $0x1;
	[tilespmem:s20+$0xFFFFFFE0] =	vst v5;
	v5 =	vsub.f32 v18, v13  }
.Ltmp1:
0x3e: {  	s26 =	sadd.s32 $0x40, s20;
	[tilespmem:s20+$0x0] =	vst v7;
	v4 =	vsub.f32 v8, v20;
	(pc) =	sbr.rel @!p0 .LBB2_4-.Ltmp1, $4  }
0x3f: {  	v6 =	vsub.f32 v6, v62;
	[tilespmem:s26+$0xFFFFFFF0] =	vst v5  }
0x40: {  	s30 =	simm.s32 $0x10820;
	s31 =	simm.s32 $0x30;
	[tilespmem:s26+$0x10] =	vst v4;
	v4 =	vsub.f32 v63, v12  }
0x41: {  	s28 =	simm.s32 $0x0;
	s29 =	simm.s32 $0x10;
	s0 =	simm.s32 $0x20;
	v15 =	vadd.s32 s31, v2;
	[tilespmem:s26+$0x0] =	vst v6  }
0x42: {  	p1 =	por $0x0, $0x0;
	p2 =	por $0x0, $0x0;
	v5 =	vor.u32 s28, v0;
	v6 =	vor.u32 s0, v0;
	[tilespmem:s26+$0xFFFFFFE0] =	vst v4;
	v4 =	vor.u32 s29, v0;
	s26 =	simm.s32 $0x40  }
0x43: {  	_ = 	snop  }
0x44: {  	v7 =	vor.u32 s31, v0;
	vm0 =	vgt.s32 v15, $0x0  }
0x45: {  	v8 =	vadd.s32 s29, v2;
	v9 =	vnsel vm0, $0x0, v15;
	vm13 =	vlt.s32 v7, $0x3FE  }
0x46: {  	vm1 =	vgt.s32 v8, $0x0;
	v11 =	vnsel vm13, $0x3FE, v7  }
0x47: {  	v13 =	vld.idx.msk [tilespmem:v5+s15+$0x0], $0xffff;
	p3 =	por $0x1, $0x1;
	v14 =	vnsel vm1, $0x0, v8  }
.Ltmp2:
0x48: {  	v17 =	vld.idx.msk [tilespmem:v4+s15+$0x0], $0xffff;
	(pc) =	sbr.rel @!p3 .LBB2_6-.Ltmp2, $4  }
0x49: {  	v5 =	vadd.s32 s0, v2;
	v18 =	vld.idx.msk [tilespmem:v6+s15+$0x0], $0xffff;
	v8 =	vadd.s32 s28, v2  }
0x4a: {  	s0 =	simm.s32 $0x60;
	s12 =	simm.s32 $0x70;
	vm14 =	vgt.s32 v5, $0x0;
	vm15 =	vgt.s32 v8, $0x0;
	v7 =	vld.idx.msk [tilespmem:v9+s15+$0x0], $0xffff  }
0x4b: {  	s10 =	simm.s32 $0x50;
	v6 =	vor.u32 s0, v0;
	v15 =	vadd.s32 s12, v2;
	v10 =	vnsel vm15, $0x0, v8;
	v8 =	vld.idx.msk [tilespmem:v11+s15+$0x0], $0xffff  }
0x4c: {  	s2 =	simm.s32 $0x80;
	p1 =	por $0x1, $0x1;
	v12 =	vnsel vm14, $0x0, v5;
	v5 =	vor.u32 s26, v0;
	v9 =	vor.u32 s10, v0;
	v11 =	vld.idx.msk [tilespmem:v14+s15+$0x0], $0xffff  }
0x4d: {  	_ =	sdelay $0x2  }
0x4e: {  	v14 =	vor.u32 s12, v0;
	vm0 =	vgt.s32 v15, $0x0  }
0x4f: {  	v16 =	vld.idx.msk [tilespmem:v12+s15+$0x0], $0xffff;
	v12 =	vadd.s32 s10, v2;
	v15 =	vnsel vm0, $0x0, v15;
	vm13 =	vlt.s32 v14, $0x3FE  }
0x50: {  	v21 =	vld.idx.msk [tilespmem:v10+s15+$0x0], $0xffff;
	v10 =	vadd.s32 s0, v2;
	vm1 =	vgt.s32 v12, $0x0;
	v14 =	vnsel vm13, $0x3FE, v14  }
0x51: {  	v22 =	vadd.s32 s26, v2;
	v19 =	vld.idx.msk [tilespmem:v5+s15+$0x0], $0xffff;
	p3 =	por $0x1, $0x1;
	vm14 =	vgt.s32 v10, $0x0;
	v23 =	vnsel vm1, $0x0, v12  }
.Ltmp3:
0x52: {  	v20 =	vld.idx.msk [tilespmem:v9+s15+$0x0], $0xffff;
	vm15 =	vgt.s32 v22, $0x0;
	v12 =	vnsel vm14, $0x0, v10;
	v8 =	vadd.f32 v8, v7;
	(pc) =	sbr.rel @!p3 .LBB2_8-.Ltmp3, $4  }
0x53: {  	v10 =	vnsel vm15, $0x0, v22;
	v22 =	vld.idx.msk [tilespmem:v6+s15+$0x0], $0xffff;
	v6 =	vadd.f32 v17, v11  }
0x54: {  	v5 =	vor.u32 s2, v0;
	s10 =	simm.s32 $0x90;
	v17 =	vadd.f32 v18, v16;
	v18 =	vmul.f32 $5.000000000e-01, v8;
	v7 =	vld.idx.msk [tilespmem:v15+s15+$0x0], $0xffff  }
0x55: {  	s0 =	simm.s32 $0xA0;
	s12 =	simm.s32 $0xB0;
	v9 =	vor.u32 s10, v0;
	v16 =	vmul.f32 $5.000000000e-01, v6;
	v8 =	vld.idx.msk [tilespmem:v14+s15+$0x0], $0xffff;
	v14 =	vadd.f32 v13, v21  }
0x56: {  	s20 =	simm.s32 $0xC0;
	p2 =	por $0x1, $0x1;
	s1 =	simm.s32 $0x10820;
	v6 =	vor.u32 s0, v0;
	v15 =	vadd.s32 s12, v2;
	v11 =	vld.idx.msk [tilespmem:v23+s15+$0x0], $0xffff;
	v21 =	vmul.f32 $5.000000000e-01, v17;
	[tilespmem:s30+$0x10] =	vst v18  }
.LBB2_9:
0x57: {  	p3 =	slt.u32 s20, $0x3C0;
	v13 =	vor.u32 s12, v0;
	vm0 =	vgt.s32 v15, $0x0;
	v17 =	vld.idx.msk [tilespmem:v12+s15+$0x0], $0xffff;
	v12 =	vmul.f32 $5.000000000e-01, v14;
	[tilespmem:s1+$0xFFFFFFF0] =	vst v16;
	v14 =	vmovc v19  }
0x58: {  	v16 =	vadd.s32 s10, v2;
	v15 =	vnsel vm0, $0x0, v15;
	vm0 =	vlt.s32 v13, $0x3FE;
	v18 =	vld.idx.msk [tilespmem:v10+s15+$0x0], $0xffff;
	[tilespmem:s1+$0x0] =	vst v21;
	v21 =	vmovc v20  }
0x59: {  	vm1 =	vgt.s32 v16, $0x0;
	v10 =	vadd.s32 s0, v2;
	v23 =	vmovc v22;
	v13 =	vnsel vm0, $0x3FE, v13;
	[tilespmem:s1+$0xFFFFFFE0] =	vst v12  }
0x5a: {  	v22 =	vadd.s32 s2, v2;
	s2 =	smov.u32 s20;
	v24 =	vnsel vm1, $0x0, v16;
	vm0 =	vgt.s32 v10, $0x0;
	v19 =	vld.idx.msk [tilespmem:v5+s15+$0x0], $0xffff  }
.Ltmp4:
0x5b: {  	vm1 =	vgt.s32 v22, $0x0;
	v12 =	vnsel vm0, $0x0, v10;
	v8 =	vadd.f32 v8, v7;
	v20 =	vld.idx.msk [tilespmem:v9+s15+$0x0], $0xffff;
	(pc) =	sbr.rel @p3 .LBB2_9-.Ltmp4, $4  }
0x5c: {  	v10 =	vnsel vm1, $0x0, v22;
	v22 =	vld.idx.msk [tilespmem:v6+s15+$0x0], $0xffff;
	v6 =	vadd.f32 v21, v11  }
0x5d: {  	s10 =	sadd.s32 $0x10, s20;
	v5 =	vor.u32 s20, v0;
	v17 =	vadd.f32 v23, v17;
	v23 =	vmul.f32 $5.000000000e-01, v8;
	v7 =	vld.idx.msk [tilespmem:v15+s15+$0x0], $0xffff  }
0x5e: {  	s12 =	sadd.s32 $0x30, s20;
	s0 =	sadd.s32 $0x20, s20;
	s1 =	sadd.s32 $0x40, s1;
	v9 =	vor.u32 s10, v0;
	v14 =	vadd.f32 v14, v18;
	v8 =	vld.idx.msk [tilespmem:v13+s15+$0x0], $0xffff;
	v16 =	vmul.f32 $5.000000000e-01, v6  }
0x5f: {  	s20 =	sadd.s32 $0x40, s20;
	v15 =	vadd.s32 s12, v2;
	v6 =	vor.u32 s0, v0;
	v21 =	vmul.f32 $5.000000000e-01, v17;
	v11 =	vld.idx.msk [tilespmem:v24+s15+$0x0], $0xffff;
	[tilespmem:s1+$0x10] =	vst v23  }
0x60: {  	_ = 	snop  }
0x61: {  	v13 =	vmov v19;
	v17 =	vmov v20;
	v18 =	vmov v22  }
.LBB2_11:
0x62: {  	_ =	sdelay $0x2  }
0x63: {  	v19 =	vor.u32 s12, v0;
	vm0 =	vgt.s32 v15, $0x0  }
0x64: {  	v12 =	vld.idx.msk @p1 [tilespmem:v12+s15+$0x0], $0xffff;
	v20 =	vadd.s32 s10, v2;
	v15 =	vnsel vm0, $0x0, v15;
	vm11 =	vlt.s32 v19, $0x3FE  }
0x65: {  	v10 =	vld.idx.msk @p1 [tilespmem:v10+s15+$0x0], $0xffff;
	v22 =	vadd.s32 s0, v2;
	vm1 =	vgt.s32 v20, $0x0;
	v19 =	vnsel vm11, $0x3FE, v19  }
0x66: {  	v23 =	vadd.s32 s2, v2;
	v5 =	vld.idx.msk [tilespmem:v5+s15+$0x0], $0xffff;
	vm12 =	vgt.s32 v22, $0x0;
	v20 =	vnsel vm1, $0x0, v20  }
0x67: {  	v9 =	vld.idx.msk [tilespmem:v9+s15+$0x0], $0xffff;
	vm13 =	vgt.s32 v23, $0x0;
	v22 =	vnsel vm12, $0x0, v22  }
0x68: {  	v6 =	vld.idx.msk [tilespmem:v6+s15+$0x0], $0xffff;
	v23 =	vnsel vm13, $0x0, v23  }
0x69: {  	v15 =	vld.idx.msk [tilespmem:v15+s15+$0x0], $0xffff  }
0x6a: {  	v19 =	vld.idx.msk [tilespmem:v19+s15+$0x0], $0xffff  }
0x6b: {  	v7 =	vadd.f32 @p1 v8, v7;
	v8 =	vadd.f32 @p1 v17, v11;
	v11 =	vld.idx.msk [tilespmem:v20+s15+$0x0], $0xffff  }
0x6c: {  	v14 =	vmul.f32 @p2 $5.000000000e-01, v14;
	[tilespmem:s1+$0xFFFFFFF0] =	vst @p2 v16;
	v12 =	vadd.f32 @p1 v18, v12;
	v43 =	vld.idx.msk [tilespmem:v22+s15+$0x0], $0xffff  }
0x6d: {  	[tilespmem:s1+$0x0] =	vst @p2 v21;
	s0 =	sadd.s32 @p2 $0x40, s1;
	s2 =	simm.s32 $0x10820;
	v7 =	vmul.f32 @p1 $5.000000000e-01, v7;
	v8 =	vmul.f32 @p1 $5.000000000e-01, v8;
	v10 =	vadd.f32 @p1 v13, v10;
	v13 =	vld.idx.msk [tilespmem:v23+s15+$0x0], $0xffff  }
0x6e: {  	s2 =	smov.u32 @p2 s0;
	[tilespmem:s1+$0xFFFFFFE0] =	vst @p2 v14;
	v12 =	vmul.f32 @p1 $5.000000000e-01, v12  }
0x6f: {  	[tilespmem:s2+$0x10] =	vst @p1 v7;
	v8 =	vpsel p1, v8, v0;
	v7 =	vpsel p1, v10, v0;
	v10 =	vadd.f32 v19, v15  }
0x70: {  	[tilespmem:s2+$0xFFFFFFF0] =	vst @p1 v8;
	v7 =	vmul.f32 @p1 $5.000000000e-01, v7;
	v12 =	vpsel p1, v12, v0;
	v8 =	vadd.f32 v9, v11  }
0x71: {  	s0 =	sadd.s32 @p1 $0x40, s2;
	[tilespmem:s2+$0x0] =	vst @p1 v12;
	v6 =	vadd.f32 v6, v43;
	v9 =	vmul.f32 $5.000000000e-01, v10  }
0x72: {  	s30 =	smov.u32 @p1 s0;
	[tilespmem:s2+$0xFFFFFFE0] =	vst @p1 v7;
	v5 =	vadd.f32 v5, v13;
	v7 =	vmul.f32 $5.000000000e-01, v8  }
0x73: {  	v6 =	vmul.f32 $5.000000000e-01, v6;
	[tilespmem:s30+$0x10] =	vst v9  }
0x74: {  	v5 =	vmul.f32 $5.000000000e-01, v5;
	[tilespmem:s30+$0xFFFFFFF0] =	vst v7  }
0x75: {  	[tilespmem:s30+$0x0] =	vst v6  }
0x76: {  	s12 =	simm.s32 $0x10020;
	[tilespmem:s30+$0xFFFFFFE0] =	vst v5  }
0x77: {  	v12 =	vadd.s32 s29, v1;
	v5 =	vld [tilespmem:s12+$0x0]  }
0x78: {  	v7 =	vor.u32 s31, v0;
	v9 =	vadd.s32 s31, v1;
	v6 =	vld [tilespmem:s12+$0xFFFFFFE0]  }
0x79: {  	v8 =	vld [tilespmem:s12+$0x10];
	vm15 =	vlt.s32 v9, $0x3FF  }
0x7a: {  	vm14 =	vlt.s32 v7, $0x3FE;
	v9 =	vnsel vm15, $0x3FF, v9  }
0x7b: {  	v11 =	vld [tilespmem:s12+$0xFFFFFFF0];
	v14 =	vnsel vm14, $0x3FE, v7  }
0x7c: {  	s20 =	simm.s32 $0x20;
	v50 =	vor.u32 s28, v0;
	v52 =	vor.u32 s28, v1;
	v12 =	vld.idx.msk [tilespmem:v12+s16+$0x0], $0xffff;
	v13 =	vshrl.u32 v5, $0x10  }
0x7d: {  	v15 =	vor.u32 s20, v0;
	v10 =	vor.u32 s20, v1;
	v7 =	vld.idx.msk [tilespmem:v7+s16+$0x0], $0xffff;
	v13 =	vand.u32 $0x1, v13  }
0x7e: {  	v48 =	vld.idx.msk [tilespmem:v4+s16+$0x0], $0xffff;
	v44 =	vshrl.u32 v6, $0x10;
	v45 =	vshrl.u32 v8, $0x10;
	v5 =	vadd.s32 v13, v5  }
0x7f: {  	v16 =	vand.u32 $0x1, v44;
	v9 =	vld.idx.msk [tilespmem:v9+s16+$0x0], $0xffff;
	v46 =	vadd.s32 $0x7FFF, v5;
	v5 =	vand.u32 $0x1, v45  }
0x80: {  	v47 =	vshrl.u32 v11, $0x10;
	v14 =	vld.idx.msk [tilespmem:v14+s15+$0x0], $0xffff;
	v6 =	vadd.s32 v16, v6;
	v5 =	vadd.s32 v5, v8  }
0x81: {  	v13 =	vld.idx.msk [tilespmem:v4+s15+$0x0], $0xffff;
	v6 =	vadd.s32 $0x7FFF, v6;
	v8 =	vand.u32 $0x1, v47;
	v49 =	vadd.s32 $0x7FFF, v5  }
0x82: {  	v4 =	vadd.s32 v8, v11;
	v8 =	vld.idx.msk [tilespmem:v15+s16+$0x0], $0xffff;
	v5 =	vand.u32 $0xFFFF0000, v6;
	v6 =	vshrl.u32 v7, $0x10  }
0x83: {  	v53 =	vadd.f32 v48, v48;
	v54 =	vadd.f32 v12, v48;
	v11 =	vld.idx.msk [tilespmem:v15+s15+$0x0], $0xffff;
	v6 =	vand.u32 $0x1, v6  }
0x84: {  	v10 =	vld.idx.msk [tilespmem:v10+s16+$0x0], $0xffff;
	v51 =	vadd.f32 v7, v7;
	v18 =	vand.u32 $0xFFFF0000, v46;
	v6 =	vadd.s32 v6, v7  }
0x85: {  	v4 =	vadd.s32 $0x7FFF, v4;
	v17 =	vand.u32 $0xFFFF0000, v49;
	v6 =	vadd.s32 $0x7FFF, v6  }
0x86: {  	v55 =	vmul.f32 $3.000000000e+00, v14;
	v14 =	vadd.f32 v14, v14;
	v6 =	vshrl.u32 v6, $0x10  }
0x87: {  	v15 =	vmul.f32 $3.000000000e+00, v13;
	v7 =	vadd.f32 v9, v7;
	v17 =	vor.u32 v6, v17  }
0x88: {  	v6 =	vadd.f32 v13, v13;
	v13 =	vmul.f32 $3.000000000e+00, v11;
	v26 =	vadd.f32 v8, v8  }
0x89: {  	v4 =	vand.u32 $0xFFFF0000, v4;
	v24 =	vadd.f32 v10, v8;
	v11 =	vadd.f32 v11, v11  }
0x8a: {  	v15 =	vsub.f32 v15, v53;
	v25 =	vshrl.u32 v8, $0x10;
	v13 =	vsub.f32 v13, v26  }
0x8b: {  	v25 =	vand.u32 $0x1, v25;
	v23 =	vsub.f32 v54, v6;
	v6 =	vsub.f32 v24, v11  }
0x8c: {  	v8 =	vadd.s32 v25, v8;
	v11 =	vsub.f32 v15, v12;
	v15 =	vsub.f32 v55, v51  }
0x8d: {  	v7 =	vsub.f32 v7, v14;
	v12 =	vld.idx.msk [tilespmem:v50+s16+$0x0], $0xffff;
	v8 =	vadd.s32 $0x7FFF, v8;
	v10 =	vsub.f32 v13, v10  }
0x8e: {  	v56 =	vld.idx.msk [tilespmem:v52+s16+$0x0], $0xffff;
	v13 =	vshrl.u32 v6, $0x10;
	v57 =	vshrl.u32 v11, $0x10;
	v9 =	vsub.f32 v15, v9  }
0x8f: {  	v62 =	vshrl.u32 v23, $0x10;
	v8 =	vshrl.u32 v8, $0x10;
	v13 =	vand.u32 $0x1, v13  }
0x90: {  	v14 =	vand.u32 $0x1, v57;
	v58 =	vshrl.u32 v10, $0x10;
	v6 =	vadd.s32 v13, v6  }
0x91: {  	v13 =	vld.idx.msk [tilespmem:v50+s15+$0x0], $0xffff;
	v15 =	vshrl.u32 v9, $0x10;
	v11 =	vadd.s32 v14, v11;
	v22 =	vand.u32 $0x1, v58  }
0x92: {  	v6 =	vadd.s32 $0x7FFF, v6;
	v59 =	vshrl.u32 v12, $0x10;
	v10 =	vadd.s32 v22, v10  }
0x93: {  	v60 =	vadd.f32 v56, v12;
	v15 =	vand.u32 $0x1, v15;
	v10 =	vadd.s32 $0x7FFF, v10  }
0x94: {  	v6 =	vshrl.u32 v6, $0x10;
	v9 =	vadd.s32 v15, v9;
	v10 =	vand.u32 $0xFFFF0000, v10  }
0x95: {  	v15 =	vand.u32 $0x1, v59;
	v14 =	vor.u32 v6, v10;
	v10 =	vadd.f32 v12, v12  }
0x96: {  	v6 =	vadd.s32 $0x7FFF, v11;
	v61 =	vadd.f32 v13, v13;
	v13 =	vmul.f32 $3.000000000e+00, v13  }
0x97: {  	v11 =	vshrl.u32 v7, $0x10;
	v12 =	vadd.s32 v15, v12;
	v6 =	vand.u32 $0xFFFF0000, v6  }
0x98: {  	v11 =	vand.u32 $0x1, v11;
	v21 =	vsub.f32 v60, v61;
	v10 =	vsub.f32 v13, v10  }
0x99: {  	v12 =	vadd.s32 $0x7FFF, v12;
	v7 =	vadd.s32 v11, v7;
	v13 =	vor.u32 v8, v18  }
0x9a: {  	v12 =	vshrl.u32 v12, $0x10;
	v11 =	vshrl.u32 v21, $0x10;
	v10 =	vsub.f32 v10, v56  }
0x9b: {  	v7 =	vadd.s32 $0x7FFF, v7;
	v8 =	vand.u32 $0x1, v11;
	v11 =	vshrl.u32 v48, $0x10  }
.Ltmp5:
0x9c: {  	v63 =	vadd.s32 v8, v21;
	v8 =	vadd.s32 $0x7FFF, v9;
	v9 =	vshrl.u32 v10, $0x10;
	(pc) =	sbr.rel @!p0 .LBB2_13-.Ltmp5, $4  }
0x9d: {  	s28 =	simm.s32 $0x10C20;
	v7 =	vshrl.u32 v7, $0x10;
	v11 =	vand.u32 $0x1, v11;
	v9 =	vand.u32 $0x1, v9  }
0x9e: {  	[tilespmem:s28+$0x10] =	vst v17;
	v18 =	vadd.s32 $0x7FFF, v63;
	v11 =	vadd.s32 v11, v48;
	v10 =	vadd.s32 v9, v10  }
0x9f: {  	s29 =	simm.s32 $0x11020;
	[tilespmem:s28+$0x0] =	vst v13;
	v9 =	vadd.s32 $0x7FFF, v11;
	v11 =	vand.u32 $0x1, v62;
	v13 =	vadd.s32 $0x7FFF, v10  }
0xa0: {  	s0 =	simm.s32 $0x10060;
	s30 =	simm.s32 $0x10C60;
	s31 =	simm.s32 $0x11060;
	[tilespmem:s29+$0x0] =	vst v14;
	v10 =	vshrl.u32 v18, $0x10;
	v11 =	vadd.s32 v11, v23;
	v13 =	vand.u32 $0xFFFF0000, v13  }
.LBB2_12:
0xa1: {  	s10 =	sadd.s32 $0x10, s26  }
0xa2: {  	v14 =	vld [tilespmem:s0+$0x0];
	s12 =	sadd.s32 $0x30, s26;
	v5 =	vor.u32 v12, v5;
	v10 =	vor.u32 v10, v13;
	v11 =	vadd.s32 $0x7FFF, v11;
	s1 =	smov.u32 s26;
	s2 =	sadd.s32 $0x40, s26  }
0xa3: {  	p0 =	slt.u32 s26, $0x3C0;
	v12 =	vld [tilespmem:s0+$0xFFFFFFE0];
	v13 =	vor.u32 s10, v0;
	s20 =	sadd.s32 $0x20, s1;
	v15 =	vor.u32 s12, v0;
	[tilespmem:s28+$0xFFFFFFE0] =	vst v5;
	v5 =	vand.u32 $0xFFFF0000, v8  }
0xa4: {  	v9 =	vshrl.u32 v9, $0x10;
	v8 =	vadd.s32 s12, v1;
	vm0 =	vlt.s32 v15, $0x3FE;
	v16 =	vld [tilespmem:s0+$0x10];
	[tilespmem:s29+$0xFFFFFFE0] =	vst v10  }
0xa5: {  	v4 =	vor.u32 v9, v4;
	v10 =	vor.u32 s20, v1;
	v17 =	vnsel vm0, $0x3FE, v15  }
0xa6: {  	v9 =	vadd.s32 s10, v1;
	vm0 =	vlt.s32 v8, $0x3FF;
	v18 =	vld [tilespmem:s0+$0xFFFFFFF0];
	[tilespmem:s28+$0xFFFFFFF0] =	vst v4;
	v4 =	vor.u32 v7, v5;
	s28 =	smov.u32 s30  }
0xa7: {  	v7 =	vnsel vm0, $0x3FF, v8;
	v8 =	vshrl.u32 v11, $0x10;
	v5 =	vshrl.u32 v14, $0x10;
	[tilespmem:s29+$0x10] =	vst v4  }
0xa8: {  	v4 =	vor.u32 s20, v0;
	v6 =	vor.u32 v8, v6;
	v5 =	vand.u32 $0x1, v5;
	v11 =	vld.idx.msk [tilespmem:v15+s16+$0x0], $0xffff  }
0xa9: {  	v8 =	vshrl.u32 v12, $0x10;
	v15 =	vld.idx.msk [tilespmem:v13+s15+$0x0], $0xffff;
	v5 =	vadd.s32 v5, v14;
	v14 =	vshrl.u32 v16, $0x10;
	[tilespmem:s29+$0xFFFFFFF0] =	vst v6;
	s29 =	smov.u32 s31  }
0xaa: {  	v6 =	vand.u32 $0x1, v8;
	v8 =	vld.idx.msk [tilespmem:v10+s16+$0x0], $0xffff;
	v10 =	vadd.s32 $0x7FFF, v5;
	v5 =	vand.u32 $0x1, v14  }
0xab: {  	v6 =	vadd.s32 v6, v12;
	v9 =	vld.idx.msk [tilespmem:v9+s16+$0x0], $0xffff;
	v12 =	vshrl.u32 v18, $0x10;
	v5 =	vadd.s32 v5, v16  }
0xac: {  	v6 =	vadd.s32 $0x7FFF, v6;
	v13 =	vld.idx.msk [tilespmem:v13+s16+$0x0], $0xffff;
	v12 =	vand.u32 $0x1, v12;
	v14 =	vadd.s32 $0x7FFF, v5  }
0xad: {  	v16 =	vor.u32 s1, v0;
	v12 =	vadd.s32 v12, v18;
	v18 =	vld.idx.msk [tilespmem:v4+s16+$0x0], $0xffff  }
0xae: {  	v5 =	vand.u32 $0xFFFF0000, v6;
	v19 =	vshrl.u32 v11, $0x10;
	v6 =	vadd.s32 $0x7FFF, v12;
	v12 =	vld.idx.msk [tilespmem:v4+s15+$0x0], $0xffff  }
0xaf: {  	v20 =	vmul.f32 $3.000000000e+00, v15;
	v4 =	vand.u32 $0xFFFF0000, v6;
	v6 =	vld.idx.msk [tilespmem:v7+s16+$0x0], $0xffff;
	v7 =	vand.u32 $0x1, v19  }
0xb0: {  	v14 =	vand.u32 $0xFFFF0000, v14;
	v19 =	vadd.f32 v11, v11;
	v17 =	vld.idx.msk [tilespmem:v17+s15+$0x0], $0xffff;
	v7 =	vadd.s32 v7, v11  }
0xb1: {  	v21 =	vor.u32 s1, v1;
	v10 =	vand.u32 $0xFFFF0000, v10;
	v7 =	vadd.s32 $0x7FFF, v7  }
0xb2: {  	v22 =	vadd.f32 v13, v13;
	v23 =	vadd.f32 v9, v13;
	v7 =	vshrl.u32 v7, $0x10  }
0xb3: {  	v24 =	vadd.f32 v8, v18;
	v25 =	vshrl.u32 v18, $0x10;
	v7 =	vor.u32 v7, v14  }
0xb4: {  	v26 =	vadd.f32 v18, v18;
	v14 =	vadd.f32 v15, v15;
	v15 =	vmul.f32 $3.000000000e+00, v12;
	[tilespmem:s30+$0x10] =	vst v7  }
0xb5: {  	v7 =	vadd.f32 v12, v12;
	v12 =	vand.u32 $0x1, v25;
	v11 =	vadd.f32 v6, v11  }
0xb6: {  	v20 =	vsub.f32 v20, v22;
	v15 =	vsub.f32 v15, v26;
	v22 =	vmul.f32 $3.000000000e+00, v17  }
0xb7: {  	v14 =	vsub.f32 v23, v14;
	v12 =	vadd.s32 v12, v18;
	v7 =	vsub.f32 v24, v7;
	v21 =	vld.idx.msk [tilespmem:v21+s16+$0x0], $0xffff  }
0xb8: {  	v9 =	vsub.f32 v20, v9;
	v12 =	vadd.s32 $0x7FFF, v12;
	v8 =	vsub.f32 v15, v8;
	v18 =	vld.idx.msk [tilespmem:v16+s16+$0x0], $0xffff  }
0xb9: {  	v17 =	vadd.f32 v17, v17;
	v19 =	vsub.f32 v22, v19;
	v15 =	vld.idx.msk [tilespmem:v16+s15+$0x0], $0xffff;
	v16 =	vshrl.u32 v7, $0x10  }
0xba: {  	v20 =	vshrl.u32 v9, $0x10;
	v22 =	vshrl.u32 v8, $0x10;
	v16 =	vand.u32 $0x1, v16  }
0xbb: {  	v22 =	vand.u32 $0x1, v22;
	v7 =	vadd.s32 v16, v7;
	v16 =	vsub.f32 v19, v6  }
0xbc: {  	v6 =	vadd.s32 v22, v8;
	v8 =	vsub.f32 v11, v17;
	v7 =	vadd.s32 $0x7FFF, v7  }
0xbd: {  	v11 =	vand.u32 $0x1, v20;
	v6 =	vadd.s32 $0x7FFF, v6;
	v17 =	vshrl.u32 v16, $0x10  }
0xbe: {  	v19 =	vshrl.u32 v18, $0x10;
	v6 =	vand.u32 $0xFFFF0000, v6;
	v7 =	vshrl.u32 v7, $0x10  }
0xbf: {  	v9 =	vadd.s32 v11, v9;
	v20 =	vadd.f32 v21, v18;
	v11 =	vor.u32 v7, v6  }
0xc0: {  	v7 =	vadd.f32 v18, v18;
	v6 =	vadd.s32 $0x7FFF, v9;
	v9 =	vshrl.u32 v8, $0x10  }
0xc1: {  	v22 =	vadd.f32 v15, v15;
	v17 =	vand.u32 $0x1, v17;
	v6 =	vand.u32 $0xFFFF0000, v6  }
0xc2: {  	v23 =	vshrl.u32 v14, $0x10;
	v15 =	vmul.f32 $3.000000000e+00, v15;
	v9 =	vand.u32 $0x1, v9  }
0xc3: {  	v16 =	vadd.s32 v17, v16;
	v20 =	vsub.f32 v20, v22;
	v8 =	vadd.s32 v9, v8  }
0xc4: {  	v9 =	vsub.f32 v15, v7;
	v7 =	vshrl.u32 v12, $0x10;
	v8 =	vadd.s32 $0x7FFF, v8  }
0xc5: {  	v10 =	vor.u32 v7, v10;
	v12 =	vshrl.u32 v20, $0x10;
	v7 =	vshrl.u32 v8, $0x10  }
0xc6: {  	v9 =	vsub.f32 v9, v21;
	v8 =	vand.u32 $0x1, v12;
	v12 =	vshrl.u32 v13, $0x10;
	[tilespmem:s30+$0x0] =	vst v10  }
0xc7: {  	v15 =	vadd.s32 v8, v20;
	v8 =	vadd.s32 $0x7FFF, v16;
	v10 =	vand.u32 $0x1, v19;
	[tilespmem:s31+$0x0] =	vst v11  }
.Ltmp6:
0xc8: {  	v12 =	vand.u32 $0x1, v12;
	v15 =	vadd.s32 $0x7FFF, v15;
	v11 =	vshrl.u32 v9, $0x10;
	(pc) =	sbr.rel @p0 .LBB2_12-.Ltmp6, $4  }
0xc9: {  	v12 =	vadd.s32 v12, v13;
	v10 =	vadd.s32 v10, v18;
	v11 =	vand.u32 $0x1, v11  }
0xca: {  	v16 =	vand.u32 $0x1, v23;
	v11 =	vadd.s32 v11, v9;
	v9 =	vadd.s32 $0x7FFF, v12  }
0xcb: {  	s26 =	smov.u32 s2;
	v12 =	vadd.s32 $0x7FFF, v10;
	v10 =	vshrl.u32 v15, $0x10;
	v11 =	vadd.s32 $0x7FFF, v11  }
0xcc: {  	s0 =	sadd.s32 $0x40, s0;
	s30 =	sadd.s32 $0x40, s30;
	s31 =	sadd.s32 $0x40, s31;
	v12 =	vshrl.u32 v12, $0x10;
	v13 =	vand.u32 $0xFFFF0000, v11;
	v11 =	vadd.s32 v16, v14  }
.LBB2_13:
0xcd: {  	v5 =	vor.u32 v12, v5  }
0xce: {  	v10 =	vor.u32 v10, v13;
	[tilespmem:s28+$0xFFFFFFE0] =	vst v5;
	v5 =	vshrl.u32 v9, $0x10  }
0xcf: {  	v8 =	vand.u32 $0xFFFF0000, v8;
	v9 =	vadd.s32 $0x7FFF, v11;
	[tilespmem:s29+$0xFFFFFFE0] =	vst v10;
	v4 =	vor.u32 v5, v4  }
0xd0: {  	v5 =	vshrl.u32 v9, $0x10;
	[tilespmem:s28+$0xFFFFFFF0] =	vst v4;
	v4 =	vor.u32 v7, v8  }
0xd1: {  	[tilespmem:s29+$0x10] =	vst v4;
	v4 =	vor.u32 v5, v6  }
0xd2: {  	[tilespmem:s29+$0xFFFFFFF0] =	vst v4  }
0xd3: {  	_ =	swait.ge [sflag:s17], $0x4000  }
0xd4: {  	[sflag:s17] =	ssyncset.done $0x0  }
0xd5: {  	s0 =	simm.s32 $0x40;
	[sflag:s17] =	ssyncadd.s32 $0xFFFFC000  }
0xd6: {  	v4 =	vld [tilespmem:s0+$0x30]  }
0xd7: {  	v5 =	vld [tilespmem:s0+$0xFFFFFFD0]  }
0xd8: {  	v6 =	vld [tilespmem:s0+$0xFFFFFFE0]  }
0xd9: {  	v7 =	vld [tilespmem:s0+$0xFFFFFFF0]  }
0xda: {  	v8 =	vld [tilespmem:s0+$0x0]  }
0xdb: {  	v9 =	vld [tilespmem:s0+$0x10]  }
0xdc: {  	v3 =	vbroadcast v3, $0x0;
	v10 =	vld [tilespmem:s0+$0xFFFFFFC0]  }
0xdd: {  	v11 =	vld [tilespmem:s0+$0x20]  }
0xde: {  	v4 =	vmul.f32 v4, v3;
	v5 =	vmul.f32 v5, v3  }
0xdf: {  	v6 =	vmul.f32 v6, v3;
	v13 =	vmul.f32 v7, v3  }
0xe0: {  	v14 =	vmul.f32 v8, v3;
	v12 =	vtrunc.f32 v4  }
0xe1: {  	v15 =	vmul.f32 v9, v3;
	v7 =	vcvt.f32.s32 v12  }
0xe2: {  	v10 =	vmul.f32 v10, v3;
	v11 =	vmul.f32 v11, v3  }
0xe3: {  	v8 =	vtrunc.f32 v6;
	v9 =	vtrunc.f32 v13;
	vm0 =	vlt.s32 v7, $0x3FE  }
0xe4: {  	v17 =	vtrunc.f32 v14;
	v18 =	vtrunc.f32 v10;
	v16 =	vnsel vm0, $0x3FE, v7  }
0xe5: {  	v19 =	vtrunc.f32 v15;
	v20 =	vtrunc.f32 v11  }
0xe6: {  	v12 =	vtrunc.f32 v5;
	v18 =	vcvt.f32.s32 v18  }
0xe7: {  	v8 =	vcvt.f32.s32 v8;
	v9 =	vcvt.f32.s32 v9  }
0xe8: {  	v17 =	vcvt.f32.s32 v17;
	v19 =	vcvt.f32.s32 v19  }
0xe9: {  	v20 =	vcvt.f32.s32 v20;
	v12 =	vcvt.f32.s32 v12;
	vm1 =	vlt.s32 v18, $0x3FE;
	v21 =	vld.idx.msk [tilespmem:v16+s19+$0x0], $0xffff  }
0xea: {  	vm2 =	vlt.s32 v8, $0x3FE;
	vm3 =	vlt.s32 v9, $0x3FE;
	vm4 =	vlt.s32 v17, $0x3FE  }
0xeb: {  	vm5 =	vlt.s32 v19, $0x3FE;
	v7 =	vcvt.s32.f32 v7;
	v24 =	vnsel vm2, $0x3FE, v8  }
0xec: {  	vm6 =	vlt.s32 v20, $0x3FE;
	vm15 =	vlt.s32 v12, $0x3FE;
	v22 =	vnsel vm1, $0x3FE, v18  }
0xed: {  	v26 =	vnsel vm3, $0x3FE, v9;
	v23 =	vnsel vm15, $0x3FE, v12;
	v25 =	vsub.f32 v4, v7  }
0xee: {  	v27 =	vnsel vm4, $0x3FE, v17;
	v12 =	vcvt.s32.f32 v12;
	v4 =	vshll.u32 v21, $0x10  }
0xef: {  	v28 =	vnsel vm5, $0x3FE, v19;
	v7 =	vcvt.s32.f32 v18;
	v16 =	vld.idx.msk [tilespmem:v16+s18+$0x0], $0xffff;
	v4 =	vmul.f32 v4, v25  }
0xf0: {  	v18 =	vand.u32 $0xFFFF0000, v21;
	v21 =	vcvt.s32.f32 v8;
	v8 =	vsub.f32 v5, v12;
	v12 =	vld.idx.msk [tilespmem:v24+s19+$0x0], $0xffff  }
0xf1: {  	v9 =	vcvt.s32.f32 v9;
	v17 =	vcvt.s32.f32 v17;
	v4 =	vadd.f32 v18, v4;
	v18 =	vld.idx.msk [tilespmem:v22+s19+$0x0], $0xffff  }
0xf2: {  	v29 =	vnsel vm6, $0x3FE, v20;
	v19 =	vcvt.s32.f32 v19;
	v20 =	vcvt.s32.f32 v20;
	v30 =	vld.idx.msk [tilespmem:v23+s19+$0x0], $0xffff  }
0xf3: {  	v7 =	vsub.f32 v10, v7;
	v5 =	vsub.f32 v13, v9;
	v13 =	vld.idx.msk [tilespmem:v26+s19+$0x0], $0xffff;
	v4 =	vmul.f32 v4, v25  }
0xf4: {  	v9 =	vsub.f32 v14, v17;
	v10 =	vsub.f32 v6, v21;
	v6 =	vshll.u32 v16, $0x10;
	v21 =	vld.idx.msk [tilespmem:v27+s19+$0x0], $0xffff  }
0xf5: {  	v17 =	vld.idx.msk [tilespmem:v23+s18+$0x0], $0xffff;
	v16 =	vand.u32 $0xFFFF0000, v16;
	v23 =	vand.u32 $0xFFFF0000, v12;
	v14 =	vadd.f32 v6, v4  }
0xf6: {  	v6 =	vsub.f32 v15, v19;
	v4 =	vsub.f32 v11, v20;
	v11 =	vshll.u32 v18, $0x10  }
0xf7: {  	v15 =	vld.idx.msk [tilespmem:v28+s19+$0x0], $0xffff;
	v14 =	vmul.f32 v14, v25;
	v20 =	vmul.f32 v11, v7;
	v11 =	vshll.u32 v30, $0x10  }
0xf8: {  	v19 =	vand.u32 $0xFFFF0000, v18;
	v25 =	vmul.f32 v11, v8;
	v11 =	vshll.u32 v12, $0x10  }
0xf9: {  	v18 =	vld.idx.msk [tilespmem:v29+s19+$0x0], $0xffff;
	v12 =	vshll.u32 v21, $0x10;
	v21 =	vand.u32 $0xFFFF0000, v21;
	v31 =	vadd.f32 v16, v14  }
0xfa: {  	v16 =	vld.idx.msk [tilespmem:v22+s18+$0x0], $0xffff;
	v22 =	vand.u32 $0xFFFF0000, v30;
	v30 =	vmul.f32 v11, v10;
	v11 =	vshll.u32 v13, $0x10  }
0xfb: {  	v33 =	vmul.f32 v12, v9;
	v12 =	vld.idx.msk [tilespmem:v26+s18+$0x0], $0xffff;
	v20 =	vadd.f32 v19, v20;
	v19 =	vshll.u32 v17, $0x10  }
0xfc: {  	v32 =	vmul.f32 v11, v5;
	v11 =	vld.idx.msk [tilespmem:v24+s18+$0x0], $0xffff;
	v24 =	vand.u32 $0xFFFF0000, v13;
	v13 =	vshll.u32 v15, $0x10  }
0xfd: {  	v14 =	vld.idx.msk [tilespmem:v27+s18+$0x0], $0xffff;
	v27 =	vand.u32 $0xFFFF0000, v15;
	v25 =	vadd.f32 v22, v25;
	v26 =	vmul.f32 v13, v6  }
0xfe: {  	v15 =	vld.idx.msk [tilespmem:v29+s18+$0x0], $0xffff;
	v13 =	vshll.u32 v18, $0x10;
	v34 =	vand.u32 $0xFFFF0000, v18;
	v23 =	vadd.f32 v23, v30  }
0xff: {  	v22 =	vmul.f32 v20, v7;
	v20 =	vadd.f32 v21, v33;
	v35 =	vmul.f32 v13, v4;
	v13 =	vld.idx.msk [tilespmem:v28+s18+$0x0], $0xffff  }
0x100: {  	v28 =	vadd.f32 v24, v32;
	v24 =	vmul.f32 v25, v8;
	v27 =	vadd.f32 v27, v26  }
0x101: {  	v21 =	vmul.f32 v23, v10;
	v23 =	vmul.f32 v20, v9;
	v18 =	vshll.u32 v16, $0x10  }
0x102: {  	v30 =	vadd.f32 v34, v35;
	v26 =	vmul.f32 v28, v5;
	v29 =	vshll.u32 v12, $0x10  }
0x103: {  	s26 =	simm.s32 $0x8040;
	v25 =	vshll.u32 v11, $0x10;
	v27 =	vmul.f32 v27, v6;
	v28 =	vshll.u32 v15, $0x10  }
0x104: {  	s28 =	simm.s32 $0x0;
	s29 =	simm.s32 $0xC0;
	[tilespmem:s26+$0x30] =	vst v31;
	v20 =	vmul.f32 v30, v4;
	v30 =	vshll.u32 v14, $0x10;
	v31 =	vshll.u32 v13, $0x10  }
.LBB2_14:
0x105: {  	v32 =	vld [tilespmem:s29+$0x30];
	s28 =	sadd.s32 $0x80, s28;
	v16 =	vand.u32 $0xFFFF0000, v16;
	v18 =	vadd.f32 v18, v22;
	v19 =	vadd.f32 v19, v24  }
0x106: {  	v17 =	vand.u32 $0xFFFF0000, v17;
	v21 =	vadd.f32 v25, v21;
	v24 =	vadd.f32 v29, v26;
	v22 =	vld [tilespmem:s29+$0xFFFFFFD0];
	p0 =	slt.u32 s28, $0x3F80  }
0x107: {  	v25 =	vld [tilespmem:s29+$0xFFFFFFE0];
	v7 =	vmul.f32 v18, v7;
	v18 =	vadd.f32 v30, v23;
	v23 =	vadd.f32 v31, v27  }
0x108: {  	v8 =	vmul.f32 v19, v8;
	v10 =	vmul.f32 v21, v10;
	v19 =	vadd.f32 v28, v20;
	v26 =	vld [tilespmem:s29+$0xFFFFFFF0]  }
0x109: {  	v11 =	vand.u32 $0xFFFF0000, v11;
	v5 =	vmul.f32 v24, v5;
	v20 =	vld [tilespmem:s29+$0x0];
	v9 =	vmul.f32 v18, v9  }
0x10a: {  	v12 =	vand.u32 $0xFFFF0000, v12;
	v6 =	vmul.f32 v23, v6;
	v18 =	vld [tilespmem:s29+$0x10];
	v21 =	vmul.f32 v32, v3  }
0x10b: {  	v14 =	vand.u32 $0xFFFF0000, v14;
	v19 =	vmul.f32 v19, v4;
	v22 =	vmul.f32 v22, v3;
	v23 =	vld [tilespmem:s29+$0x20]  }
0x10c: {  	v13 =	vand.u32 $0xFFFF0000, v13;
	v4 =	vld [tilespmem:s29+$0xFFFFFFC0];
	v24 =	vmul.f32 v25, v3;
	v25 =	vtrunc.f32 v21  }
0x10d: {  	v15 =	vand.u32 $0xFFFF0000, v15;
	v26 =	vmul.f32 v26, v3;
	v25 =	vcvt.f32.s32 v25  }
0x10e: {  	v7 =	vadd.f32 v16, v7;
	v27 =	vtrunc.f32 v22;
	v20 =	vmul.f32 v20, v3  }
0x10f: {  	v16 =	vtrunc.f32 v24;
	v18 =	vmul.f32 v18, v3;
	vm0 =	vlt.s32 v25, $0x3FE  }
0x110: {  	v28 =	vtrunc.f32 v26;
	v23 =	vmul.f32 v23, v3;
	v29 =	vnsel vm0, $0x3FE, v25;
	[tilespmem:s26+$0xFFFFFFC0] =	vst v7  }
0x111: {  	v8 =	vadd.f32 v17, v8;
	v7 =	vtrunc.f32 v20;
	v4 =	vmul.f32 v4, v3  }
0x112: {  	v10 =	vadd.f32 v11, v10;
	v17 =	vtrunc.f32 v18;
	v30 =	vtrunc.f32 v23  }
0x113: {  	v5 =	vadd.f32 v12, v5;
	v27 =	vcvt.f32.s32 v27;
	v11 =	vtrunc.f32 v4;
	[tilespmem:s26+$0xFFFFFFD0] =	vst v8  }
0x114: {  	v9 =	vadd.f32 v14, v9;
	v8 =	vcvt.f32.s32 v11;
	v11 =	vcvt.f32.s32 v16;
	[tilespmem:s26+$0xFFFFFFE0] =	vst v10  }
0x115: {  	vm0 =	vlt.s32 v27, $0x3FE;
	v7 =	vcvt.f32.s32 v7;
	v10 =	vcvt.f32.s32 v28;
	v12 =	vld.idx.msk [tilespmem:v29+s19+$0x0], $0xffff;
	[tilespmem:s26+$0xFFFFFFF0] =	vst v5  }
0x116: {  	v14 =	vcvt.f32.s32 v30;
	v5 =	vcvt.f32.s32 v17;
	vm1 =	vlt.s32 v8, $0x3FE;
	[tilespmem:s26+$0x0] =	vst v9  }
0x117: {  	vm4 =	vlt.s32 v7, $0x3FE;
	vm2 =	vlt.s32 v11, $0x3FE;
	vm3 =	vlt.s32 v10, $0x3FE  }
0x118: {  	vm6 =	vlt.s32 v14, $0x3FE;
	v9 =	vcvt.s32.f32 v25;
	vm5 =	vlt.s32 v5, $0x3FE  }
0x119: {  	v17 =	vnsel vm0, $0x3FE, v27;
	v16 =	vnsel vm1, $0x3FE, v8;
	v25 =	vnsel vm2, $0x3FE, v11  }
0x11a: {  	v30 =	vnsel vm4, $0x3FE, v7;
	v28 =	vnsel vm3, $0x3FE, v10;
	v21 =	vsub.f32 v21, v9  }
0x11b: {  	v32 =	vnsel vm6, $0x3FE, v14;
	v31 =	vnsel vm5, $0x3FE, v5;
	v9 =	vshll.u32 v12, $0x10;
	v29 =	vld.idx.msk [tilespmem:v29+s18+$0x0], $0xffff  }
0x11c: {  	v6 =	vadd.f32 v13, v6;
	v8 =	vcvt.s32.f32 v8;
	v9 =	vmul.f32 v9, v21  }
0x11d: {  	v13 =	vcvt.s32.f32 v27;
	v11 =	vcvt.s32.f32 v11;
	v12 =	vand.u32 $0xFFFF0000, v12  }
0x11e: {  	v34 =	vcvt.s32.f32 v7;
	v33 =	vcvt.s32.f32 v10;
	v9 =	vadd.f32 v12, v9;
	v27 =	vld.idx.msk [tilespmem:v16+s19+$0x0], $0xffff;
	[tilespmem:s26+$0x10] =	vst v6  }
0x11f: {  	v14 =	vcvt.s32.f32 v14;
	v7 =	vsub.f32 v4, v8;
	v4 =	vcvt.s32.f32 v5;
	v12 =	vld.idx.msk [tilespmem:v17+s19+$0x0], $0xffff  }
0x120: {  	v8 =	vsub.f32 v22, v13;
	v10 =	vsub.f32 v24, v11;
	v11 =	vmul.f32 v9, v21;
	v13 =	vld.idx.msk [tilespmem:v25+s19+$0x0], $0xffff  }
0x121: {  	v5 =	vsub.f32 v26, v33;
	v9 =	vsub.f32 v20, v34;
	v20 =	vshll.u32 v29, $0x10;
	v22 =	vld.idx.msk [tilespmem:v28+s19+$0x0], $0xffff  }
0x122: {  	v6 =	vsub.f32 v18, v4;
	v11 =	vadd.f32 v20, v11;
	v24 =	vld.idx.msk [tilespmem:v30+s19+$0x0], $0xffff  }
0x123: {  	v4 =	vsub.f32 v23, v14;
	v14 =	vadd.f32 v15, v19;
	v18 =	vld.idx.msk [tilespmem:v31+s19+$0x0], $0xffff  }
0x124: {  	v19 =	vand.u32 $0xFFFF0000, v27;
	v15 =	vshll.u32 v27, $0x10;
	v11 =	vmul.f32 v11, v21;
	v20 =	vld.idx.msk [tilespmem:v32+s19+$0x0], $0xffff  }
0x125: {  	v23 =	vand.u32 $0xFFFF0000, v29;
	v21 =	vmul.f32 v15, v7;
	v15 =	vshll.u32 v12, $0x10;
	v16 =	vld.idx.msk [tilespmem:v16+s18+$0x0], $0xffff;
	[tilespmem:s26+$0x20] =	vst v14  }
0x126: {  	v26 =	vmul.f32 v15, v8;
	v14 =	vshll.u32 v13, $0x10;
	v15 =	vadd.f32 v23, v11;
	v17 =	vld.idx.msk [tilespmem:v17+s18+$0x0], $0xffff  }
0x127: {  	v23 =	vand.u32 $0xFFFF0000, v12;
	s26 =	sadd.s32 $0x80, s26;
	v11 =	vld.idx.msk [tilespmem:v25+s18+$0x0], $0xffff;
	v25 =	vmul.f32 v14, v10;
	v14 =	vshll.u32 v22, $0x10  }
0x128: {  	v27 =	vand.u32 $0xFFFF0000, v13;
	v13 =	vshll.u32 v24, $0x10;
	v12 =	vld.idx.msk [tilespmem:v28+s18+$0x0], $0xffff;
	v28 =	vmul.f32 v14, v5;
	[tilespmem:s26+$0x30] =	vst v15  }
0x129: {  	v22 =	vand.u32 $0xFFFF0000, v22;
	v29 =	vmul.f32 v13, v9;
	v15 =	vshll.u32 v18, $0x10;
	v14 =	vld.idx.msk [tilespmem:v30+s18+$0x0], $0xffff  }
0x12a: {  	v24 =	vand.u32 $0xFFFF0000, v24;
	v30 =	vmul.f32 v15, v6;
	v13 =	vld.idx.msk [tilespmem:v31+s18+$0x0], $0xffff;
	v31 =	vshll.u32 v20, $0x10  }
0x12b: {  	v33 =	vand.u32 $0xFFFF0000, v18;
	v20 =	vand.u32 $0xFFFF0000, v20;
	v15 =	vld.idx.msk [tilespmem:v32+s18+$0x0], $0xffff;
	v31 =	vmul.f32 v31, v4  }
0x12c: {  	v21 =	vadd.f32 v19, v21;
	v23 =	vadd.f32 v23, v26;
	v18 =	vshll.u32 v16, $0x10  }
0x12d: {  	v25 =	vadd.f32 v27, v25;
	v26 =	vadd.f32 v22, v28;
	v19 =	vshll.u32 v17, $0x10  }
.Ltmp7:
0x12e: {  	v22 =	vmul.f32 v21, v7;
	v27 =	vadd.f32 v24, v29;
	v28 =	vadd.f32 v33, v30;
	(pc) =	sbr.rel @p0 .LBB2_14-.Ltmp7, $4  }
0x12f: {  	v24 =	vmul.f32 v23, v8;
	v21 =	vmul.f32 v25, v10;
	v20 =	vadd.f32 v20, v31  }
0x130: {  	v25 =	vshll.u32 v11, $0x10;
	v26 =	vmul.f32 v26, v5;
	v23 =	vmul.f32 v27, v9  }
0x131: {  	v29 =	vshll.u32 v12, $0x10;
	v27 =	vmul.f32 v28, v6;
	v20 =	vmul.f32 v20, v4  }
0x132: {  	s29 =	sadd.s32 $0x80, s29;
	v30 =	vshll.u32 v14, $0x10;
	v31 =	vshll.u32 v13, $0x10;
	v28 =	vshll.u32 v15, $0x10  }
0x133: {  	v18 =	vadd.f32 v18, v22  }
0x134: {  	v16 =	vand.u32 $0xFFFF0000, v16;
	v19 =	vadd.f32 v19, v24;
	v17 =	vand.u32 $0xFFFF0000, v17  }
0x135: {  	v21 =	vadd.f32 v25, v21;
	v22 =	vadd.f32 v29, v26;
	v7 =	vmul.f32 v18, v7  }
0x136: {  	v11 =	vand.u32 $0xFFFF0000, v11;
	v18 =	vadd.f32 v30, v23;
	v8 =	vmul.f32 v19, v8  }
0x137: {  	v23 =	vadd.f32 v31, v27;
	v5 =	vmul.f32 v22, v5;
	v7 =	vadd.f32 v16, v7  }
0x138: {  	v12 =	vand.u32 $0xFFFF0000, v12;
	v10 =	vmul.f32 v21, v10;
	v8 =	vadd.f32 v17, v8  }
0x139: {  	v19 =	vadd.f32 v28, v20;
	v6 =	vmul.f32 v23, v6;
	v5 =	vadd.f32 v12, v5;
	[tilespmem:s26+$0xFFFFFFC0] =	vst v7  }
0x13a: {  	v9 =	vmul.f32 v18, v9;
	v7 =	vadd.f32 v11, v10;
	[tilespmem:s26+$0xFFFFFFD0] =	vst v8;
	v8 =	vand.u32 $0xFFFF0000, v13  }
0x13b: {  	v4 =	vmul.f32 v19, v4;
	v10 =	vand.u32 $0xFFFF0000, v14;
	[tilespmem:s26+$0xFFFFFFF0] =	vst v5;
	v5 =	vadd.f32 v8, v6  }
0x13c: {  	[tilespmem:s26+$0xFFFFFFE0] =	vst v7;
	v7 =	vadd.f32 v10, v9;
	v9 =	vand.u32 $0xFFFF0000, v15  }
0x13d: {  	v4 =	vadd.f32 v9, v4;
	[tilespmem:s26+$0x10] =	vst v5  }
0x13e: {  	[tilespmem:s26+$0x0] =	vst v7  }
0x13f: {  	s0 =	simm.s32 $0x0;
	s1 =	simm.s32 $0x8000;
	[tilespmem:s26+$0x20] =	vst v4  }
0x140: {  	[hbm4b:s7+s0] =	stream.linear.scatter [tilespmem:s1], [sflag:$0x3], $0x4000, $0x38;
	[tilespmem:$0x11480] =	vst v63  }
0x141: {  	_ =	swait.ge [sflag:s21], $0x4000  }
0x142: {  	[sflag:s21] =	ssyncset.done $0x0  }
0x143: {  	s26 =	simm.s32 $0x0;
	[sflag:s21] =	ssyncadd.s32 $0xFFFFC000  }
0x144: {  	v4 =	vld [tilespmem:s26+$0x4070]  }
0x145: {  	v5 =	vld [tilespmem:s26+$0x4000]  }
0x146: {  	v6 =	vld [tilespmem:s26+$0x4010]  }
0x147: {  	v7 =	vld [tilespmem:s26+$0x4020]  }
0x148: {  	v8 =	vld [tilespmem:s26+$0x4030]  }
0x149: {  	v9 =	vld [tilespmem:s26+$0x4040]  }
0x14a: {  	v10 =	vld [tilespmem:s26+$0x4050]  }
0x14b: {  	v11 =	vld [tilespmem:s26+$0x4060];
	v4 =	vmul.f32 v4, v3  }
0x14c: {  	v5 =	vmul.f32 v5, v3;
	v6 =	vmul.f32 v6, v3  }
0x14d: {  	v13 =	vmul.f32 v7, v3;
	v14 =	vmul.f32 v8, v3  }
0x14e: {  	v9 =	vmul.f32 v9, v3;
	v12 =	vtrunc.f32 v4  }
0x14f: {  	v16 =	vmul.f32 v10, v3;
	v7 =	vcvt.f32.s32 v12  }
0x150: {  	v11 =	vmul.f32 v11, v3;
	v8 =	vtrunc.f32 v6  }
0x151: {  	v15 =	vtrunc.f32 v13;
	v17 =	vtrunc.f32 v14;
	vm0 =	vlt.s32 v7, $0x3FE  }
0x152: {  	v18 =	vtrunc.f32 v9;
	v19 =	vtrunc.f32 v16;
	v10 =	vnsel vm0, $0x3FE, v7  }
0x153: {  	v20 =	vtrunc.f32 v11;
	v12 =	vtrunc.f32 v5  }
0x154: {  	v8 =	vcvt.f32.s32 v8;
	v15 =	vcvt.f32.s32 v15  }
0x155: {  	v17 =	vcvt.f32.s32 v17;
	v18 =	vcvt.f32.s32 v18  }
0x156: {  	v19 =	vcvt.f32.s32 v19;
	v20 =	vcvt.f32.s32 v20  }
0x157: {  	v12 =	vcvt.f32.s32 v12;
	vm1 =	vlt.s32 v8, $0x3FE;
	vm2 =	vlt.s32 v15, $0x3FE;
	v21 =	vld.idx.msk [tilespmem:v10+s19+$0x0], $0xffff  }
0x158: {  	vm3 =	vlt.s32 v17, $0x3FE;
	vm4 =	vlt.s32 v18, $0x3FE;
	vm6 =	vlt.s32 v20, $0x3FE  }
0x159: {  	vm15 =	vlt.s32 v12, $0x3FE;
	v7 =	vcvt.s32.f32 v7;
	v29 =	vnsel vm6, $0x3FE, v20  }
0x15a: {  	vm5 =	vlt.s32 v19, $0x3FE;
	v23 =	vnsel vm1, $0x3FE, v8;
	v22 =	vnsel vm15, $0x3FE, v12  }
0x15b: {  	v24 =	vnsel vm2, $0x3FE, v15;
	v26 =	vnsel vm3, $0x3FE, v17;
	v25 =	vsub.f32 v4, v7  }
0x15c: {  	v27 =	vnsel vm4, $0x3FE, v18;
	v18 =	vcvt.s32.f32 v18;
	v4 =	vshll.u32 v21, $0x10  }
0x15d: {  	v28 =	vnsel vm5, $0x3FE, v19;
	v8 =	vcvt.s32.f32 v8;
	v30 =	vld.idx.msk [tilespmem:v10+s18+$0x0], $0xffff;
	v4 =	vmul.f32 v4, v25  }
0x15e: {  	v7 =	vcvt.s32.f32 v12;
	v9 =	vsub.f32 v9, v18;
	v18 =	vld.idx.msk [tilespmem:v29+s19+$0x0], $0xffff;
	v10 =	vand.u32 $0xFFFF0000, v21  }
0x15f: {  	v12 =	vcvt.s32.f32 v15;
	v15 =	vcvt.s32.f32 v17;
	v17 =	vld.idx.msk [tilespmem:v22+s19+$0x0], $0xffff;
	v4 =	vadd.f32 v10, v4  }
0x160: {  	v19 =	vcvt.s32.f32 v19;
	v20 =	vcvt.s32.f32 v20;
	v21 =	vld.idx.msk [tilespmem:v23+s19+$0x0], $0xffff  }
0x161: {  	v8 =	vsub.f32 v6, v8;
	v10 =	vsub.f32 v13, v12;
	v12 =	vld.idx.msk [tilespmem:v24+s19+$0x0], $0xffff;
	v4 =	vmul.f32 v4, v25  }
0x162: {  	v7 =	vsub.f32 v5, v7;
	v5 =	vsub.f32 v14, v15;
	v15 =	vld.idx.msk [tilespmem:v27+s19+$0x0], $0xffff;
	v6 =	vshll.u32 v30, $0x10  }
0x163: {  	v33 =	vshll.u32 v18, $0x10;
	v13 =	vld.idx.msk [tilespmem:v26+s19+$0x0], $0xffff;
	v14 =	vadd.f32 v6, v4;
	v6 =	vsub.f32 v16, v19  }
0x164: {  	v4 =	vsub.f32 v11, v20;
	v11 =	vld.idx.msk [tilespmem:v28+s19+$0x0], $0xffff;
	v16 =	vand.u32 $0xFFFF0000, v17;
	v17 =	vshll.u32 v17, $0x10  }
0x165: {  	v19 =	vmul.f32 v17, v7;
	v17 =	vshll.u32 v21, $0x10;
	v14 =	vmul.f32 v14, v25  }
0x166: {  	v20 =	vand.u32 $0xFFFF0000, v30;
	v25 =	vmul.f32 v17, v8;
	v17 =	vshll.u32 v12, $0x10  }
0x167: {  	v16 =	vadd.f32 v16, v19;
	v30 =	vadd.f32 v20, v14;
	v20 =	vand.u32 $0xFFFF0000, v21  }
0x168: {  	v21 =	vmul.f32 v17, v10;
	v17 =	vld.idx.msk [tilespmem:v23+s18+$0x0], $0xffff;
	v23 =	vand.u32 $0xFFFF0000, v12;
	v12 =	vshll.u32 v15, $0x10  }
0x169: {  	v14 =	vld.idx.msk [tilespmem:v22+s18+$0x0], $0xffff;
	v22 =	vshll.u32 v13, $0x10;
	v31 =	vmul.f32 v12, v9;
	v12 =	vshll.u32 v11, $0x10  }
0x16a: {  	v13 =	vand.u32 $0xFFFF0000, v13;
	v22 =	vmul.f32 v22, v5;
	v32 =	vmul.f32 v12, v6;
	v12 =	vld.idx.msk [tilespmem:v24+s18+$0x0], $0xffff  }
0x16b: {  	v15 =	vand.u32 $0xFFFF0000, v15;
	v25 =	vadd.f32 v20, v25;
	v24 =	vand.u32 $0xFFFF0000, v11;
	v11 =	vld.idx.msk [tilespmem:v26+s18+$0x0], $0xffff  }
0x16c: {  	v20 =	vmul.f32 v16, v7;
	v22 =	vadd.f32 v13, v22;
	v16 =	vadd.f32 v15, v31;
	v15 =	vld.idx.msk [tilespmem:v27+s18+$0x0], $0xffff  }
0x16d: {  	v33 =	vmul.f32 v33, v4;
	v13 =	vld.idx.msk [tilespmem:v28+s18+$0x0], $0xffff  }
0x16e: {  	v21 =	vadd.f32 v23, v21;
	v26 =	vmul.f32 v22, v5;
	v22 =	vmul.f32 v16, v9;
	v16 =	vld.idx.msk [tilespmem:v29+s18+$0x0], $0xffff  }
0x16f: {  	v34 =	vand.u32 $0xFFFF0000, v18;
	v23 =	vadd.f32 v24, v32  }
0x170: {  	v31 =	vadd.f32 v34, v33;
	v24 =	vmul.f32 v25, v8;
	v21 =	vmul.f32 v21, v10  }
0x171: {  	v18 =	vshll.u32 v14, $0x10;
	v19 =	vshll.u32 v17, $0x10;
	v27 =	vmul.f32 v23, v6  }
0x172: {  	s28 =	simm.s32 $0x4000;
	s29 =	simm.s32 $0x200;
	[tilespmem:s26+$0xC070] =	vst v30;
	v23 =	vmul.f32 v31, v4;
	v25 =	vshll.u32 v12, $0x10;
	v28 =	vshll.u32 v11, $0x10  }
.LBB2_16:
0x173: {  	s0 =	sshra.s32 s29, $0x2;
	s28 =	sadd.s32 $0x80, s28;
	v29 =	vshll.u32 v15, $0x10;
	v30 =	vshll.u32 v13, $0x10;
	v31 =	vshll.u32 v16, $0x10  }
0x174: {  	v14 =	vand.u32 $0xFFFF0000, v14;
	v18 =	vadd.f32 v18, v20;
	v19 =	vadd.f32 v19, v24;
	v32 =	vld [tilespmem:s0+$0x4070];
	p0 =	slt.u32 s28, $0x7F80  }
0x175: {  	v17 =	vand.u32 $0xFFFF0000, v17;
	v21 =	vadd.f32 v25, v21;
	v24 =	vadd.f32 v28, v26;
	v20 =	vld [tilespmem:s0+$0x4000]  }
0x176: {  	v7 =	vmul.f32 v18, v7;
	v18 =	vadd.f32 v29, v22;
	v22 =	vadd.f32 v30, v27;
	v25 =	vld [tilespmem:s0+$0x4010]  }
0x177: {  	v8 =	vmul.f32 v19, v8;
	v10 =	vmul.f32 v21, v10;
	v19 =	vadd.f32 v31, v23;
	v26 =	vld [tilespmem:s0+$0x4020]  }
0x178: {  	v12 =	vand.u32 $0xFFFF0000, v12;
	v5 =	vmul.f32 v24, v5;
	v9 =	vmul.f32 v18, v9;
	v21 =	vld [tilespmem:s0+$0x4030]  }
0x179: {  	v11 =	vand.u32 $0xFFFF0000, v11;
	v6 =	vmul.f32 v22, v6;
	v18 =	vld [tilespmem:s0+$0x4040];
	v23 =	vmul.f32 v32, v3  }
0x17a: {  	v15 =	vand.u32 $0xFFFF0000, v15;
	v19 =	vmul.f32 v19, v4;
	v20 =	vmul.f32 v20, v3;
	v22 =	vld [tilespmem:s0+$0x4050]  }
0x17b: {  	v13 =	vand.u32 $0xFFFF0000, v13;
	v4 =	vmul.f32 v25, v3;
	v24 =	vld [tilespmem:s0+$0x4060];
	v25 =	vtrunc.f32 v23  }
0x17c: {  	v16 =	vand.u32 $0xFFFF0000, v16;
	v26 =	vmul.f32 v26, v3;
	v25 =	vcvt.f32.s32 v25  }
0x17d: {  	v7 =	vadd.f32 v14, v7;
	v27 =	vtrunc.f32 v20;
	v21 =	vmul.f32 v21, v3  }
0x17e: {  	v14 =	vtrunc.f32 v4;
	v18 =	vmul.f32 v18, v3;
	vm0 =	vlt.s32 v25, $0x3FE  }
0x17f: {  	v28 =	vtrunc.f32 v26;
	v22 =	vmul.f32 v22, v3;
	v29 =	vnsel vm0, $0x3FE, v25;
	[tilespmem:s26+$0xC000] =	vst v7  }
0x180: {  	v8 =	vadd.f32 v17, v8;
	v7 =	vtrunc.f32 v21;
	v24 =	vmul.f32 v24, v3  }
0x181: {  	v10 =	vadd.f32 v12, v10;
	v17 =	vtrunc.f32 v18;
	v30 =	vtrunc.f32 v22  }
0x182: {  	v5 =	vadd.f32 v11, v5;
	v12 =	vcvt.f32.s32 v27;
	v27 =	vtrunc.f32 v24;
	[tilespmem:s26+$0xC010] =	vst v8  }
0x183: {  	v9 =	vadd.f32 v15, v9;
	v11 =	vcvt.f32.s32 v28;
	v8 =	vcvt.f32.s32 v14;
	[tilespmem:s26+$0xC020] =	vst v10  }
0x184: {  	vm0 =	vlt.s32 v12, $0x3FE;
	v7 =	vcvt.f32.s32 v7;
	v10 =	vcvt.f32.s32 v17;
	v14 =	vld.idx.msk [tilespmem:v29+s19+$0x0], $0xffff;
	[tilespmem:s26+$0xC030] =	vst v5  }
0x185: {  	v15 =	vcvt.f32.s32 v27;
	vm1 =	vlt.s32 v8, $0x3FE;
	v5 =	vcvt.f32.s32 v30;
	[tilespmem:s26+$0xC040] =	vst v9  }
0x186: {  	vm2 =	vlt.s32 v11, $0x3FE;
	vm3 =	vlt.s32 v7, $0x3FE;
	vm4 =	vlt.s32 v10, $0x3FE  }
0x187: {  	vm6 =	vlt.s32 v15, $0x3FE;
	v9 =	vcvt.s32.f32 v25;
	vm5 =	vlt.s32 v5, $0x3FE  }
0x188: {  	v17 =	vnsel vm0, $0x3FE, v12;
	v27 =	vnsel vm2, $0x3FE, v11;
	v25 =	vnsel vm1, $0x3FE, v8  }
0x189: {  	v28 =	vnsel vm3, $0x3FE, v7;
	v30 =	vnsel vm4, $0x3FE, v10;
	v23 =	vsub.f32 v23, v9  }
0x18a: {  	v32 =	vnsel vm6, $0x3FE, v15;
	v31 =	vnsel vm5, $0x3FE, v5;
	v9 =	vshll.u32 v14, $0x10;
	v29 =	vld.idx.msk [tilespmem:v29+s18+$0x0], $0xffff  }
0x18b: {  	v6 =	vadd.f32 v13, v6;
	v12 =	vcvt.s32.f32 v12;
	v9 =	vmul.f32 v9, v23  }
0x18c: {  	v11 =	vcvt.s32.f32 v11;
	v8 =	vcvt.s32.f32 v8;
	v13 =	vand.u32 $0xFFFF0000, v14  }
0x18d: {  	v33 =	vcvt.s32.f32 v7;
	v34 =	vcvt.s32.f32 v10;
	v9 =	vadd.f32 v13, v9;
	v14 =	vld.idx.msk [tilespmem:v17+s19+$0x0], $0xffff;
	[tilespmem:s26+$0xC050] =	vst v6  }
0x18e: {  	v7 =	vsub.f32 v20, v12;
	v13 =	vcvt.s32.f32 v15;
	v6 =	vcvt.s32.f32 v5;
	v12 =	vld.idx.msk [tilespmem:v25+s19+$0x0], $0xffff  }
0x18f: {  	v10 =	vsub.f32 v26, v11;
	v8 =	vsub.f32 v4, v8;
	v4 =	vmul.f32 v9, v23;
	v11 =	vld.idx.msk [tilespmem:v27+s19+$0x0], $0xffff  }
0x190: {  	v5 =	vsub.f32 v21, v33;
	v9 =	vsub.f32 v18, v34;
	v18 =	vshll.u32 v29, $0x10;
	v15 =	vld.idx.msk [tilespmem:v28+s19+$0x0], $0xffff  }
0x191: {  	v6 =	vsub.f32 v22, v6;
	v18 =	vadd.f32 v18, v4;
	v20 =	vld.idx.msk [tilespmem:v30+s19+$0x0], $0xffff  }
0x192: {  	v4 =	vsub.f32 v24, v13;
	v13 =	vadd.f32 v16, v19;
	v21 =	vld.idx.msk [tilespmem:v31+s19+$0x0], $0xffff  }
0x193: {  	v19 =	vand.u32 $0xFFFF0000, v14;
	v16 =	vshll.u32 v14, $0x10;
	v18 =	vmul.f32 v18, v23;
	v22 =	vld.idx.msk [tilespmem:v32+s19+$0x0], $0xffff  }
0x194: {  	v24 =	vand.u32 $0xFFFF0000, v29;
	v23 =	vmul.f32 v16, v7;
	v16 =	vshll.u32 v12, $0x10;
	v14 =	vld.idx.msk [tilespmem:v17+s18+$0x0], $0xffff;
	[tilespmem:s26+$0xC060] =	vst v13;
	s26 =	smov.u32 s0  }
0x195: {  	v13 =	vshll.u32 v11, $0x10;
	v17 =	vld.idx.msk [tilespmem:v25+s18+$0x0], $0xffff;
	v25 =	vmul.f32 v16, v8;
	v16 =	vadd.f32 v24, v18  }
0x196: {  	v24 =	vand.u32 $0xFFFF0000, v12;
	v26 =	vmul.f32 v13, v10;
	v13 =	vshll.u32 v15, $0x10;
	v12 =	vld.idx.msk [tilespmem:v27+s18+$0x0], $0xffff  }
0x197: {  	v27 =	vand.u32 $0xFFFF0000, v11;
	v11 =	vld.idx.msk [tilespmem:v28+s18+$0x0], $0xffff;
	v28 =	vmul.f32 v13, v5;
	v13 =	vshll.u32 v20, $0x10;
	[tilespmem:s26+$0xC070] =	vst v16  }
0x198: {  	v29 =	vand.u32 $0xFFFF0000, v15;
	v16 =	vshll.u32 v21, $0x10;
	v15 =	vld.idx.msk [tilespmem:v30+s18+$0x0], $0xffff;
	v30 =	vmul.f32 v13, v9  }
0x199: {  	v33 =	vand.u32 $0xFFFF0000, v20;
	v18 =	vshll.u32 v22, $0x10;
	v13 =	vld.idx.msk [tilespmem:v31+s18+$0x0], $0xffff;
	v31 =	vmul.f32 v16, v6  }
0x19a: {  	v21 =	vand.u32 $0xFFFF0000, v21;
	v22 =	vand.u32 $0xFFFF0000, v22;
	v16 =	vld.idx.msk [tilespmem:v32+s18+$0x0], $0xffff;
	v32 =	vmul.f32 v18, v4  }
0x19b: {  	v20 =	vadd.f32 v19, v23;
	v23 =	vadd.f32 v24, v25;
	v18 =	vshll.u32 v14, $0x10  }
.Ltmp8:
0x19c: {  	v25 =	vadd.f32 v27, v26;
	v26 =	vadd.f32 v29, v28;
	v19 =	vshll.u32 v17, $0x10;
	(pc) =	sbr.rel @p0 .LBB2_16-.Ltmp8, $4  }
0x19d: {  	v20 =	vmul.f32 v20, v7;
	v27 =	vadd.f32 v33, v30;
	v29 =	vadd.f32 v21, v31  }
0x19e: {  	v24 =	vmul.f32 v23, v8;
	v21 =	vmul.f32 v25, v10;
	v23 =	vadd.f32 v22, v32  }
0x19f: {  	v25 =	vshll.u32 v12, $0x10;
	v26 =	vmul.f32 v26, v5;
	v22 =	vmul.f32 v27, v9  }
0x1a0: {  	s29 =	sadd.s32 $0x200, s29;
	v28 =	vshll.u32 v11, $0x10;
	v27 =	vmul.f32 v29, v6;
	v23 =	vmul.f32 v23, v4  }
0x1a1: {  	v3 =	vshll.u32 v15, $0x10  }
0x1a2: {  	v29 =	vshll.u32 v13, $0x10;
	v30 =	vshll.u32 v16, $0x10;
	v18 =	vadd.f32 v18, v20  }
0x1a3: {  	v14 =	vand.u32 $0xFFFF0000, v14;
	v19 =	vadd.f32 v19, v24;
	v17 =	vand.u32 $0xFFFF0000, v17  }
0x1a4: {  	v54 =	vadd.f32 v25, v21;
	v55 =	vadd.f32 v28, v26;
	v7 =	vmul.f32 v18, v7  }
0x1a5: {  	v12 =	vand.u32 $0xFFFF0000, v12;
	v58 =	vand.u32 $0xFFFF0000, v11;
	v8 =	vmul.f32 v19, v8  }
0x1a6: {  	v3 =	vadd.f32 v3, v22;
	v10 =	vmul.f32 v54, v10;
	v7 =	vadd.f32 v14, v7  }
0x1a7: {  	v56 =	vadd.f32 v29, v27;
	v5 =	vmul.f32 v55, v5;
	v8 =	vadd.f32 v17, v8  }
0x1a8: {  	v57 =	vadd.f32 v30, v23;
	v3 =	vmul.f32 v3, v9;
	v59 =	vadd.f32 v12, v10;
	[tilespmem:s26+$0xC000] =	vst v7  }
0x1a9: {  	v60 =	vand.u32 $0xFFFF0000, v15;
	v6 =	vmul.f32 v56, v6;
	v5 =	vadd.f32 v58, v5;
	[tilespmem:s26+$0xC010] =	vst v8  }
0x1aa: {  	v61 =	vand.u32 $0xFFFF0000, v13;
	v4 =	vmul.f32 v57, v4;
	v3 =	vadd.f32 v60, v3;
	[tilespmem:s26+$0xC020] =	vst v59  }
0x1ab: {  	v62 =	vand.u32 $0xFFFF0000, v16;
	v63 =	vadd.f32 v61, v6;
	[tilespmem:s26+$0xC030] =	vst v5  }
0x1ac: {  	[tilespmem:s26+$0xC040] =	vst v3;
	v3 =	vadd.f32 v62, v4  }
0x1ad: {  	[tilespmem:s26+$0xC050] =	vst v63  }
0x1ae: {  	s25 =	sadd.s32 $0x1, s25;
	[tilespmem:s26+$0xC060] =	vst v3  }
0x1af: {  	[hbm4b:s8+s3] =	stream.linear.scatter [tilespmem:s22], [sflag:$0x4], $0x4000, $0x38;
	[tilespmem:$0x11480] =	vst v63  }
0x1b0: {  	p0 =	sne.s32 s25, s9;
	_ =	swait.ge [sflag:s23], $0x4000  }
.Ltmp9:
0x1b1: {  	[sflag:s23] =	ssyncset.done $0x0;
	(pc) =	sbr.rel @p0 .LBB2_1-.Ltmp9, $4  }
.Ltmp10:
0x1b2: {  	[sflag:s23] =	ssyncadd.s32 $0xFFFFC000;
	(pc) =	sbr.rel @!p0 .LBB2_18-.Ltmp10, $4  }
0x1b3: {  	_ =	swait.ge [sflag:s24], $0x4000  }
0x1b4: {  	[sflag:s24] =	ssyncset.done $0x0  }
0x1b5: {  	[sflag:s24] =	ssyncadd.s32 $0xFFFFC000  }
0x1b6: {  	_ = 	snop  }
.LBB2_4:
.Ltmp11:
0x1b7: {  	(pc) =	sbr.rel .LBB2_11-.Ltmp11, $3  }
0x1b8: {  	_ =	sdelay $0x1  }
0x1b9: {  	s12 =	simm.s32 $0x30  }
0x1ba: {  	s1 =	simm.s32 $0x10820;
	s10 =	simm.s32 $0x10;
	s2 =	simm.s32 $0x0;
	v9 =	vmov v4  }
.LBB2_6:
.Ltmp12:
0x1bb: {  	(pc) =	sbr.rel .LBB2_11-.Ltmp12, $2  }
0x1bc: {  	_ =	sdelay $0x2  }
0x1bd: {  	s1 =	simm.s32 $0x10820;
	s2 =	simm.s32 $0x40  }
.LBB2_8:
.Ltmp13:
0x1be: {  	(pc) =	sbr.rel .LBB2_11-.Ltmp13, $2  }
0x1bf: {  	_ =	sdelay $0x2  }
0x1c0: {  	s1 =	simm.s32 $0x10820;
	v13 =	vmov v19;
	v17 =	vmov v20;
	v18 =	vmov v22  }
.LBB2_18:
0x1c1: {  	_ =	sfence.sel $0x180000  }
0x1c2: {  	[bflag:$0x0] =	sbarrier.arrive $0xFFFF  }
0x1c3: {  	_ =	strace $0x90000047  }
0x1c4: {  	s0 =	stileid.u32;
	[bflag:$0x2] =	sbarrier.arrive $0xFFFF  }
0x1c5: {  	p0 =	sne.s32 s0, $0x0;
	s0 =	rddreg [dreg:$0x4]  }
0x1c6: {  	s0 =	sadd.s32 @!p0 $0x100000, s0  }
0x1c7: {  	[sflag:s0] =	ssyncadd.tile.s32 @!p0 $0x1;
	_ =	shalt  }
.Lfunc_end2:
_tile_overlayer_lowered:
.L_overlay_start_2:
0x1c8: {  	(tag) =	ssettag $0x2  }
0x1c9: {  	s0 =	rddreg [dreg:$0x0];
	s2 =	stileid.u32  }
0x1ca: {  	s1 =	rddreg [dreg:$0x1];
	p0 =	sne.s32 s2, $0x0  }
0x1cb: {  	s3 =	rddreg [dreg:$0x2];
	[bflag:$0x3] =	sbarrier.arrive $0xFFFF;
	s2 =	simm.s32 @!p0 $0x1C06  }
0x1cc: {  	[timem:s3], [sflag:s2] =	dma.local @!p0 [hbm:s0], s1  }
0x1cd: {  	s0 =	simm.s32 @!p0 $0x6  }
0x1ce: {  	_ =	swait.ge @!p0 [sflag:s0], s1  }
0x1cf: {  	s1 =	ssub.s32 @!p0 $0x0, s1;
	[sflag:s0] =	ssyncset.done @!p0 $0x0  }
0x1d0: {  	[sflag:s0] =	ssyncadd.s32 @!p0 s1  }
0x1d1: {  	[bflag:$0x3] =	sbarrier.arrive $0xFFFF  }
0x1d2: {  	_ =	shalt  }

</sc_bundles>
